<compile_context>
chip_gen: v7x
topology: tpu7x:2x2x1
jax: 0.10.2.dev20260603
libtpu: 0.0.44.dev20260713+nightly
codegen_flags: <defaults>
</compile_context>

<pallas_src>
import functools
import jax
import jax.numpy as jnp
import numpy as np
from jax import lax
from jax.experimental import pallas as pl
from jax.experimental.pallas import tpu as pltpu
from jax.experimental.pallas import tpu_sc as plsc

EMBED = 64
DM = 4096
OFF = (0, 16, 24, 48)
KP = 128
CLIP_HI = (12, 6, 23, 31)

ROWS_BLK = 1024
NC, NS = 2, 16
NW = NC * NS
LANES = 16


def _proj_kernel(z_ref, w_ref, b_ref, p_ref):
    zw = lax.dot_general(
        z_ref[...], w_ref[...], (((1,), (1,)), ((), ())),
        preferred_element_type=jnp.float32)
    p = zw * 0.5 + 0.125 * b_ref[...]
    p_ref[...] = p.astype(jnp.bfloat16)


def _mm_kernel(mh_ref, p_ref, out_ref):
    out_ref[...] = lax.dot_general(
        mh_ref[...].astype(jnp.bfloat16), p_ref[...],
        (((1,), (0,)), ((), ())),
        preferred_element_type=jnp.float32)


def _make_multihot_sc(n_rows):
    chunk = n_rows // NW
    quarter = chunk // 4
    groups = quarter // LANES
    mesh = plsc.VectorSubcoreMesh(
        core_axis_name="c", subcore_axis_name="s",
        num_cores=NC, num_subcores=NS)

    @functools.partial(
        pl.kernel,
        out_type=jax.ShapeDtypeStruct((n_rows, KP), jnp.float32),
        mesh=mesh,
        scratch_types=[
            pltpu.VMEM((4 * chunk,), jnp.int32),
            pltpu.VMEM((2, quarter, KP), jnp.float32),
            pltpu.SemaphoreType.DMA,
            pltpu.SemaphoreType.DMA,
            pltpu.SemaphoreType.DMA,
        ],
        compiler_params=pltpu.CompilerParams(needs_layout_passes=False),
    )
    def mh_kernel(idx_hbm, mh_hbm, idx_v, m_v, isem, sem0, sem1):
        wid = lax.axis_index("s") * NC + lax.axis_index("c")
        base = wid * chunk
        copies = [
            pltpu.async_copy(idx_hbm.at[pl.ds(t * n_rows + base, chunk)],
                             idx_v.at[pl.ds(t * chunk, chunk)], isem)
            for t in range(4)
        ]

        zeros = jnp.zeros((LANES,), jnp.float32)
        ones = jnp.ones((LANES,), jnp.float32)
        lane = lax.iota(jnp.int32, LANES)
        wsems = (sem0, sem1)

        def zbody(i, carry):
            for j in range(KP // LANES):
                m_v[i // quarter, i % quarter, pl.ds(j * LANES, LANES)] = zeros
            return carry

        lax.fori_loop(0, 2 * quarter, zbody, 0)
        for c in copies:
            c.wait()

        def scatter_q(q, bufi, val):
            def sbody(g, carry):
                rows = g * LANES + lane
                for t in range(4):
                    iv = idx_v[pl.ds(t * chunk + q * quarter + g * LANES,
                                     LANES)]
                    iv = jnp.clip(iv, 0, CLIP_HI[t])
                    plsc.store_scatter(m_v.at[bufi], [rows, OFF[t] + iv], val)
                return carry
            lax.fori_loop(0, groups, sbody, 0)

        wb = [None, None]
        for q in range(4):
            bufi = q % 2
            if wb[bufi] is not None:
                wb[bufi].wait()
                scatter_q(q - 2, bufi, zeros)
            scatter_q(q, bufi, ones)
            wb[bufi] = pltpu.async_copy(
                m_v.at[bufi],
                mh_hbm.at[pl.ds(base + q * quarter, quarter)],
                wsems[bufi])
        wb[0].wait()
        wb[1].wait()

    return mh_kernel


def kernel(time_feats, month_w, weekday_w, hour_w, day_w, W, b):
    B, S, F = time_feats.shape
    N = B * S
    idx_t = time_feats.reshape(N, F).astype(jnp.int32).T.reshape(-1)

    mh = _make_multihot_sc(N)(idx_t)

    z = jnp.zeros((KP, 4 * EMBED), jnp.float32)
    for t, tbl in enumerate((month_w, weekday_w, hour_w, day_w)):
        z = lax.dynamic_update_slice(z, tbl, (OFF[t], t * EMBED))

    p = pl.pallas_call(
        _proj_kernel,
        out_shape=jax.ShapeDtypeStruct((KP, DM), jnp.bfloat16),
    )(z, W, b.reshape(1, DM))

    rows_blk, cols_blk = 2048, 2048
    out = pl.pallas_call(
        _mm_kernel,
        grid=(N // rows_blk, DM // cols_blk),
        in_specs=[
            pl.BlockSpec((rows_blk, KP), lambda i, j: (i, 0)),
            pl.BlockSpec((KP, cols_blk), lambda i, j: (0, j)),
        ],
        out_specs=pl.BlockSpec((rows_blk, cols_blk), lambda i, j: (i, j)),
        out_shape=jax.ShapeDtypeStruct((N, DM), jnp.float32),
        compiler_params=pltpu.CompilerParams(
            vmem_limit_bytes=100 * 1024 * 1024),
    )(mh, p)
    return out.reshape(B, S, DM)

# --- scband reference (transcript-rebuilt; emitter-appended) ---
"""Pipeline reference for scband-informer-time-embedding-31473520345374 (READ-ONLY COPY).

The authoritative reference and input builder live on the scoring server;
editing this copy changes nothing except your own understanding.
"""

import jax, jax.numpy as jnp
import numpy as np

D_MODEL = 4096
EMBED_DIM = 64  # min(d_model // 4, 64)

def setup_inputs(seed: int = 0) -> dict:
    key = jax.random.key(seed)
    ks = jax.random.split(key, 7)
    time_feats = jax.random.randint(ks[0], (4, 8192, 4), 0, 7)
    month_w = jax.random.normal(ks[1], (13, EMBED_DIM), dtype=jnp.float32) * 0.02
    weekday_w = jax.random.normal(ks[2], (7, EMBED_DIM), dtype=jnp.float32) * 0.02
    hour_w = jax.random.normal(ks[3], (24, EMBED_DIM), dtype=jnp.float32) * 0.02
    day_w = jax.random.normal(ks[4], (32, EMBED_DIM), dtype=jnp.float32) * 0.02
    # torch nn.Linear: weight [out_features, in_features], bias [out_features]
    bound = 1.0 / np.sqrt(EMBED_DIM * 4)
    W = jax.random.uniform(ks[5], (D_MODEL, EMBED_DIM * 4), dtype=jnp.float32, minval=-bound, maxval=bound)
    b = jax.random.uniform(ks[6], (D_MODEL,), dtype=jnp.float32, minval=-bound, maxval=bound)
    return {"time_feats": time_feats, "month_w": month_w, "weekday_w": weekday_w,
            "hour_w": hour_w, "day_w": day_w, "W": W, "b": b}

def reference(time_feats, month_w, weekday_w, hour_w, day_w, W, b):
    month = jnp.clip(time_feats[..., 0], 0, 12)
    weekday = jnp.clip(time_feats[..., 1], 0, 6)
    hour = jnp.clip(time_feats[..., 2], 0, 23)
    day = jnp.clip(time_feats[..., 3], 0, 31)
    embs = jnp.concatenate([
        jnp.take(month_w, month, axis=0),
        jnp.take(weekday_w, weekday, axis=0),
        jnp.take(hour_w, hour, axis=0),
        jnp.take(day_w, day, axis=0),
    ], axis=-1)
    embs = embs @ W.T + b
    norm_factor = 1.0 / np.sqrt(4.0)
    return embs * norm_factor

if __name__ == "__main__":
    import jax
    _d = setup_inputs()
    print(jax.jit(kernel)(*tuple(_d.values())))

</pallas_src>

<mosaic_0001>
#map = affine_map<(d0, d1) -> (0)>
#map1 = affine_map<(d0, d1) -> (0, 0)>
module attributes {stable_mosaic.version = 14 : i64} {
  func.func @mh_kernel(%arg0: i32, %arg1: i32, %arg2: memref<131072xi32, #tpu.memory_space<hbm>>, %arg3: memref<32768x128xf32, #tpu.memory_space<hbm>>, %arg4: memref<4096xi32, #tpu.memory_space<vmem>>, %arg5: memref<2x256x128xf32, #tpu.memory_space<vmem>>, %arg6: memref<!tpu.dma_semaphore, #tpu.memory_space<semaphore_mem>>, %arg7: memref<!tpu.dma_semaphore, #tpu.memory_space<semaphore_mem>>, %arg8: memref<!tpu.dma_semaphore, #tpu.memory_space<semaphore_mem>>) attributes {dimension_semantics = [#tpu.dimension_semantics<core_parallel>, #tpu.dimension_semantics<subcore_parallel>], iteration_bounds = array<i64: 2, 16>, scalar_prefetch = 0 : i64, scratch_operands = 5 : i64, tpu.core_type = #tpu.core_type<sc_vector_subcore>, window_params = [{transform_indices = #map}, {transform_indices = #map1}]} {
    %mul3A = arith.constant 2 : i32
    %mul3A_0 = arith.muli %arg1, %mul3A : i32
    %add3A = arith.addi %mul3A_0, %arg0 : i32
    %mul3A_1 = arith.constant 1024 : i32
    %mul3A_2 = arith.muli %add3A, %mul3A_1 : i32
    %add3A_3 = arith.constant 0 : i32
    %add3A_4 = arith.addi %add3A_3, %mul3A_2 : i32
    %dma_start3A = arith.constant 0 : i32
    %dma_start3A_5 = tpu.memref_slice %arg4[%dma_start3A] : memref<4096xi32, #tpu.memory_space<vmem>> -> memref<1024xi32, #tpu.memory_space<vmem>>
    %dma_start3A_6 = tpu.memref_slice %arg2[%add3A_4] : memref<131072xi32, #tpu.memory_space<hbm>> -> memref<1024xi32, #tpu.memory_space<hbm>>
    %dma_start3A_7 = arith.constant 0 : i32
    %dma_start3A_8 = tpu.memref_slice %arg4[%dma_start3A_7] : memref<4096xi32, #tpu.memory_space<vmem>> -> memref<1024xi32, #tpu.memory_space<vmem>>
    %dma_start3A_9 = tpu.memref_slice %arg2[%add3A_4] : memref<131072xi32, #tpu.memory_space<hbm>> -> memref<1024xi32, #tpu.memory_space<hbm>>
    tpu.enqueue_dma source(%dma_start3A_9 : memref<1024xi32, #tpu.memory_space<hbm>>) target(%dma_start3A_8 : memref<1024xi32, #tpu.memory_space<vmem>>) target_semaphore(%arg6 : memref<!tpu.dma_semaphore, #tpu.memory_space<semaphore_mem>>)
    %add3A_10 = arith.constant 32768 : i32
    %add3A_11 = arith.addi %add3A_10, %mul3A_2 : i32
    %dma_start3A_12 = arith.constant 1024 : i32
    %dma_start3A_13 = tpu.memref_slice %arg4[%dma_start3A_12] : memref<4096xi32, #tpu.memory_space<vmem>> -> memref<1024xi32, #tpu.memory_space<vmem>>
    %dma_start3A_14 = tpu.memref_slice %arg2[%add3A_11] : memref<131072xi32, #tpu.memory_space<hbm>> -> memref<1024xi32, #tpu.memory_space<hbm>>
    %dma_start3A_15 = arith.constant 1024 : i32
    %dma_start3A_16 = tpu.memref_slice %arg4[%dma_start3A_15] : memref<4096xi32, #tpu.memory_space<vmem>> -> memref<1024xi32, #tpu.memory_space<vmem>>
    %dma_start3A_17 = tpu.memref_slice %arg2[%add3A_11] : memref<131072xi32, #tpu.memory_space<hbm>> -> memref<1024xi32, #tpu.memory_space<hbm>>
    tpu.enqueue_dma source(%dma_start3A_17 : memref<1024xi32, #tpu.memory_space<hbm>>) target(%dma_start3A_16 : memref<1024xi32, #tpu.memory_space<vmem>>) target_semaphore(%arg6 : memref<!tpu.dma_semaphore, #tpu.memory_space<semaphore_mem>>)
    %add3A_18 = arith.constant 65536 : i32
    %add3A_19 = arith.addi %add3A_18, %mul3A_2 : i32
    %dma_start3A_20 = arith.constant 2048 : i32
    %dma_start3A_21 = tpu.memref_slice %arg4[%dma_start3A_20] : memref<4096xi32, #tpu.memory_space<vmem>> -> memref<1024xi32, #tpu.memory_space<vmem>>
    %dma_start3A_22 = tpu.memref_slice %arg2[%add3A_19] : memref<131072xi32, #tpu.memory_space<hbm>> -> memref<1024xi32, #tpu.memory_space<hbm>>
    %dma_start3A_23 = arith.constant 2048 : i32
    %dma_start3A_24 = tpu.memref_slice %arg4[%dma_start3A_23] : memref<4096xi32, #tpu.memory_space<vmem>> -> memref<1024xi32, #tpu.memory_space<vmem>>
    %dma_start3A_25 = tpu.memref_slice %arg2[%add3A_19] : memref<131072xi32, #tpu.memory_space<hbm>> -> memref<1024xi32, #tpu.memory_space<hbm>>
    tpu.enqueue_dma source(%dma_start3A_25 : memref<1024xi32, #tpu.memory_space<hbm>>) target(%dma_start3A_24 : memref<1024xi32, #tpu.memory_space<vmem>>) target_semaphore(%arg6 : memref<!tpu.dma_semaphore, #tpu.memory_space<semaphore_mem>>)
    %add3A_26 = arith.constant 98304 : i32
    %add3A_27 = arith.addi %add3A_26, %mul3A_2 : i32
    %dma_start3A_28 = arith.constant 3072 : i32
    %dma_start3A_29 = tpu.memref_slice %arg4[%dma_start3A_28] : memref<4096xi32, #tpu.memory_space<vmem>> -> memref<1024xi32, #tpu.memory_space<vmem>>
    %dma_start3A_30 = tpu.memref_slice %arg2[%add3A_27] : memref<131072xi32, #tpu.memory_space<hbm>> -> memref<1024xi32, #tpu.memory_space<hbm>>
    %dma_start3A_31 = arith.constant 3072 : i32
    %dma_start3A_32 = tpu.memref_slice %arg4[%dma_start3A_31] : memref<4096xi32, #tpu.memory_space<vmem>> -> memref<1024xi32, #tpu.memory_space<vmem>>
    %dma_start3A_33 = tpu.memref_slice %arg2[%add3A_27] : memref<131072xi32, #tpu.memory_space<hbm>> -> memref<1024xi32, #tpu.memory_space<hbm>>
    tpu.enqueue_dma source(%dma_start3A_33 : memref<1024xi32, #tpu.memory_space<hbm>>) target(%dma_start3A_32 : memref<1024xi32, #tpu.memory_space<vmem>>) target_semaphore(%arg6 : memref<!tpu.dma_semaphore, #tpu.memory_space<semaphore_mem>>)
    %broadcast_in_dim3A = arith.constant 0.000000e+00 : f32
    %broadcast_in_dim3A_34 = vector.broadcast %broadcast_in_dim3A : f32 to vector<16xf32>
    %broadcast_in_dim3A_35 = arith.constant 1.000000e+00 : f32
    %broadcast_in_dim3A_36 = vector.broadcast %broadcast_in_dim3A_35 : f32 to vector<16xf32>
    %iota3A = tpu.iota {dimensions = array<i32: 0>} : vector<16xi32>
    %scan3A = arith.constant 0 : i32
    %scan3A_37 = arith.constant 0 : i32
    %scan3A_38 = arith.constant 512 : i32
    %scan3A_39 = arith.addi %scan3A_37, %scan3A_38 : i32
    %scan3A_40 = arith.constant 1 : i32
    scf.for %scan3A_213 = %scan3A_37 to %scan3A_39 step %scan3A_40  : i32 {
      %jit3A = arith.constant 256 : i32
      %div3A = arith.divsi %scan3A_213, %jit3A : i32
      %sign3A = arith.constant 0 : i32
      %sign3A_214 = arith.cmpi sgt, %scan3A_213, %sign3A : i32
      %sign3A_215 = arith.extui %sign3A_214 : i1 to i32
      %sign3A_216 = arith.constant 0 : i32
      %sign3A_217 = arith.cmpi slt, %scan3A_213, %sign3A_216 : i32
      %sign3A_218 = arith.extui %sign3A_217 : i1 to i32
      %sign3A_219 = arith.subi %sign3A_215, %sign3A_218 : i32
      %sign3A_220 = arith.constant 0 : i32
      %sign3A_221 = arith.cmpi sgt, %jit3A, %sign3A_220 : i32
      %sign3A_222 = arith.extui %sign3A_221 : i1 to i32
      %sign3A_223 = arith.constant 0 : i32
      %sign3A_224 = arith.cmpi slt, %jit3A, %sign3A_223 : i32
      %sign3A_225 = arith.extui %sign3A_224 : i1 to i32
      %sign3A_226 = arith.subi %sign3A_222, %sign3A_225 : i32
      %ne3A = arith.cmpi ne, %sign3A_219, %sign3A_226 : i32
      %rem3A = arith.remsi %scan3A_213, %jit3A : i32
      %ne3A_227 = arith.constant 0 : i32
      %ne3A_228 = arith.cmpi ne, %rem3A, %ne3A_227 : i32
      %and3A = arith.andi %ne3A, %ne3A_228 : i1
      %sub3A = arith.constant 1 : i32
      %sub3A_229 = arith.subi %div3A, %sub3A : i32
      %select_n3A = arith.select %and3A, %sub3A_229, %div3A : i32
      %jit3A_230 = arith.constant 256 : i32
      %eq3A = arith.constant 0 : i32
      %eq3A_231 = arith.cmpi eq, %jit3A_230, %eq3A : i32
      %jit3A_232 = arith.constant 1 : i32
      %select_n3A_233 = arith.select %eq3A_231, %jit3A_232, %jit3A_230 : i32
      %rem3A_234 = arith.remsi %scan3A_213, %select_n3A_233 : i32
      %ne3A_235 = arith.constant 0 : i32
      %ne3A_236 = arith.cmpi ne, %rem3A_234, %ne3A_235 : i32
      %lt3A = arith.constant 0 : i32
      %lt3A_237 = arith.cmpi slt, %rem3A_234, %lt3A : i32
      %lt3A_238 = arith.constant 0 : i32
      %lt3A_239 = arith.cmpi slt, %select_n3A_233, %lt3A_238 : i32
      %ne3A_240 = arith.xori %lt3A_237, %lt3A_239 : i1
      %and3A_241 = arith.andi %ne3A_240, %ne3A_236 : i1
      %add3A_242 = arith.addi %rem3A_234, %select_n3A_233 : i32
      %select_n3A_243 = arith.select %and3A_241, %add3A_242, %rem3A_234 : i32
      %swap3A = arith.index_cast %select_n3A : i32 to index
      %swap3A_244 = arith.index_cast %select_n3A_243 : i32 to index
      %swap3A_245 = arith.constant 0 : index
      %swap3A_246 = tpu.vector_load %arg5[%swap3A, %swap3A_244, %swap3A_245] {strides = array<i32>} : memref<2x256x128xf32, #tpu.memory_space<vmem>>, vector<16xf32>,
      tpu.vector_store %arg5[%swap3A, %swap3A_244, %swap3A_245], %broadcast_in_dim3A_34 {strides = array<i32>} : memref<2x256x128xf32, #tpu.memory_space<vmem>>, vector<16xf32>,
      %jit3A_247 = arith.constant 256 : i32
      %div3A_248 = arith.divsi %scan3A_213, %jit3A_247 : i32
      %sign3A_249 = arith.constant 0 : i32
      %sign3A_250 = arith.cmpi sgt, %scan3A_213, %sign3A_249 : i32
      %sign3A_251 = arith.extui %sign3A_250 : i1 to i32
      %sign3A_252 = arith.constant 0 : i32
      %sign3A_253 = arith.cmpi slt, %scan3A_213, %sign3A_252 : i32
      %sign3A_254 = arith.extui %sign3A_253 : i1 to i32
      %sign3A_255 = arith.subi %sign3A_251, %sign3A_254 : i32
      %sign3A_256 = arith.constant 0 : i32
      %sign3A_257 = arith.cmpi sgt, %jit3A_247, %sign3A_256 : i32
      %sign3A_258 = arith.extui %sign3A_257 : i1 to i32
      %sign3A_259 = arith.constant 0 : i32
      %sign3A_260 = arith.cmpi slt, %jit3A_247, %sign3A_259 : i32
      %sign3A_261 = arith.extui %sign3A_260 : i1 to i32
      %sign3A_262 = arith.subi %sign3A_258, %sign3A_261 : i32
      %ne3A_263 = arith.cmpi ne, %sign3A_255, %sign3A_262 : i32
      %rem3A_264 = arith.remsi %scan3A_213, %jit3A_247 : i32
      %ne3A_265 = arith.constant 0 : i32
      %ne3A_266 = arith.cmpi ne, %rem3A_264, %ne3A_265 : i32
      %and3A_267 = arith.andi %ne3A_263, %ne3A_266 : i1
      %sub3A_268 = arith.constant 1 : i32
      %sub3A_269 = arith.subi %div3A_248, %sub3A_268 : i32
      %select_n3A_270 = arith.select %and3A_267, %sub3A_269, %div3A_248 : i32
      %jit3A_271 = arith.constant 256 : i32
      %eq3A_272 = arith.constant 0 : i32
      %eq3A_273 = arith.cmpi eq, %jit3A_271, %eq3A_272 : i32
      %jit3A_274 = arith.constant 1 : i32
      %select_n3A_275 = arith.select %eq3A_273, %jit3A_274, %jit3A_271 : i32
      %rem3A_276 = arith.remsi %scan3A_213, %select_n3A_275 : i32
      %ne3A_277 = arith.constant 0 : i32
      %ne3A_278 = arith.cmpi ne, %rem3A_276, %ne3A_277 : i32
      %lt3A_279 = arith.constant 0 : i32
      %lt3A_280 = arith.cmpi slt, %rem3A_276, %lt3A_279 : i32
      %lt3A_281 = arith.constant 0 : i32
      %lt3A_282 = arith.cmpi slt, %select_n3A_275, %lt3A_281 : i32
      %ne3A_283 = arith.xori %lt3A_280, %lt3A_282 : i1
      %and3A_284 = arith.andi %ne3A_283, %ne3A_278 : i1
      %add3A_285 = arith.addi %rem3A_276, %select_n3A_275 : i32
      %select_n3A_286 = arith.select %and3A_284, %add3A_285, %rem3A_276 : i32
      %swap3A_287 = arith.index_cast %select_n3A_270 : i32 to index
      %swap3A_288 = arith.index_cast %select_n3A_286 : i32 to index
      %swap3A_289 = arith.constant 16 : index
      %swap3A_290 = tpu.vector_load %arg5[%swap3A_287, %swap3A_288, %swap3A_289] {strides = array<i32>} : memref<2x256x128xf32, #tpu.memory_space<vmem>>, vector<16xf32>,
      tpu.vector_store %arg5[%swap3A_287, %swap3A_288, %swap3A_289], %broadcast_in_dim3A_34 {strides = array<i32>} : memref<2x256x128xf32, #tpu.memory_space<vmem>>, vector<16xf32>,
      %jit3A_291 = arith.constant 256 : i32
      %div3A_292 = arith.divsi %scan3A_213, %jit3A_291 : i32
      %sign3A_293 = arith.constant 0 : i32
      %sign3A_294 = arith.cmpi sgt, %scan3A_213, %sign3A_293 : i32
      %sign3A_295 = arith.extui %sign3A_294 : i1 to i32
      %sign3A_296 = arith.constant 0 : i32
      %sign3A_297 = arith.cmpi slt, %scan3A_213, %sign3A_296 : i32
      %sign3A_298 = arith.extui %sign3A_297 : i1 to i32
      %sign3A_299 = arith.subi %sign3A_295, %sign3A_298 : i32
      %sign3A_300 = arith.constant 0 : i32
      %sign3A_301 = arith.cmpi sgt, %jit3A_291, %sign3A_300 : i32
      %sign3A_302 = arith.extui %sign3A_301 : i1 to i32
      %sign3A_303 = arith.constant 0 : i32
      %sign3A_304 = arith.cmpi slt, %jit3A_291, %sign3A_303 : i32
      %sign3A_305 = arith.extui %sign3A_304 : i1 to i32
      %sign3A_306 = arith.subi %sign3A_302, %sign3A_305 : i32
      %ne3A_307 = arith.cmpi ne, %sign3A_299, %sign3A_306 : i32
      %rem3A_308 = arith.remsi %scan3A_213, %jit3A_291 : i32
      %ne3A_309 = arith.constant 0 : i32
      %ne3A_310 = arith.cmpi ne, %rem3A_308, %ne3A_309 : i32
      %and3A_311 = arith.andi %ne3A_307, %ne3A_310 : i1
      %sub3A_312 = arith.constant 1 : i32
      %sub3A_313 = arith.subi %div3A_292, %sub3A_312 : i32
      %select_n3A_314 = arith.select %and3A_311, %sub3A_313, %div3A_292 : i32
      %jit3A_315 = arith.constant 256 : i32
      %eq3A_316 = arith.constant 0 : i32
      %eq3A_317 = arith.cmpi eq, %jit3A_315, %eq3A_316 : i32
      %jit3A_318 = arith.constant 1 : i32
      %select_n3A_319 = arith.select %eq3A_317, %jit3A_318, %jit3A_315 : i32
      %rem3A_320 = arith.remsi %scan3A_213, %select_n3A_319 : i32
      %ne3A_321 = arith.constant 0 : i32
      %ne3A_322 = arith.cmpi ne, %rem3A_320, %ne3A_321 : i32
      %lt3A_323 = arith.constant 0 : i32
      %lt3A_324 = arith.cmpi slt, %rem3A_320, %lt3A_323 : i32
      %lt3A_325 = arith.constant 0 : i32
      %lt3A_326 = arith.cmpi slt, %select_n3A_319, %lt3A_325 : i32
      %ne3A_327 = arith.xori %lt3A_324, %lt3A_326 : i1
      %and3A_328 = arith.andi %ne3A_327, %ne3A_322 : i1
      %add3A_329 = arith.addi %rem3A_320, %select_n3A_319 : i32
      %select_n3A_330 = arith.select %and3A_328, %add3A_329, %rem3A_320 : i32
      %swap3A_331 = arith.index_cast %select_n3A_314 : i32 to index
      %swap3A_332 = arith.index_cast %select_n3A_330 : i32 to index
      %swap3A_333 = arith.constant 32 : index
      %swap3A_334 = tpu.vector_load %arg5[%swap3A_331, %swap3A_332, %swap3A_333] {strides = array<i32>} : memref<2x256x128xf32, #tpu.memory_space<vmem>>, vector<16xf32>,
      tpu.vector_store %arg5[%swap3A_331, %swap3A_332, %swap3A_333], %broadcast_in_dim3A_34 {strides = array<i32>} : memref<2x256x128xf32, #tpu.memory_space<vmem>>, vector<16xf32>,
      %jit3A_335 = arith.constant 256 : i32
      %div3A_336 = arith.divsi %scan3A_213, %jit3A_335 : i32
      %sign3A_337 = arith.constant 0 : i32
      %sign3A_338 = arith.cmpi sgt, %scan3A_213, %sign3A_337 : i32
      %sign3A_339 = arith.extui %sign3A_338 : i1 to i32
      %sign3A_340 = arith.constant 0 : i32
      %sign3A_341 = arith.cmpi slt, %scan3A_213, %sign3A_340 : i32
      %sign3A_342 = arith.extui %sign3A_341 : i1 to i32
      %sign3A_343 = arith.subi %sign3A_339, %sign3A_342 : i32
      %sign3A_344 = arith.constant 0 : i32
      %sign3A_345 = arith.cmpi sgt, %jit3A_335, %sign3A_344 : i32
      %sign3A_346 = arith.extui %sign3A_345 : i1 to i32
      %sign3A_347 = arith.constant 0 : i32
      %sign3A_348 = arith.cmpi slt, %jit3A_335, %sign3A_347 : i32
      %sign3A_349 = arith.extui %sign3A_348 : i1 to i32
      %sign3A_350 = arith.subi %sign3A_346, %sign3A_349 : i32
      %ne3A_351 = arith.cmpi ne, %sign3A_343, %sign3A_350 : i32
      %rem3A_352 = arith.remsi %scan3A_213, %jit3A_335 : i32
      %ne3A_353 = arith.constant 0 : i32
      %ne3A_354 = arith.cmpi ne, %rem3A_352, %ne3A_353 : i32
      %and3A_355 = arith.andi %ne3A_351, %ne3A_354 : i1
      %sub3A_356 = arith.constant 1 : i32
      %sub3A_357 = arith.subi %div3A_336, %sub3A_356 : i32
      %select_n3A_358 = arith.select %and3A_355, %sub3A_357, %div3A_336 : i32
      %jit3A_359 = arith.constant 256 : i32
      %eq3A_360 = arith.constant 0 : i32
      %eq3A_361 = arith.cmpi eq, %jit3A_359, %eq3A_360 : i32
      %jit3A_362 = arith.constant 1 : i32
      %select_n3A_363 = arith.select %eq3A_361, %jit3A_362, %jit3A_359 : i32
      %rem3A_364 = arith.remsi %scan3A_213, %select_n3A_363 : i32
      %ne3A_365 = arith.constant 0 : i32
      %ne3A_366 = arith.cmpi ne, %rem3A_364, %ne3A_365 : i32
      %lt3A_367 = arith.constant 0 : i32
      %lt3A_368 = arith.cmpi slt, %rem3A_364, %lt3A_367 : i32
      %lt3A_369 = arith.constant 0 : i32
      %lt3A_370 = arith.cmpi slt, %select_n3A_363, %lt3A_369 : i32
      %ne3A_371 = arith.xori %lt3A_368, %lt3A_370 : i1
      %and3A_372 = arith.andi %ne3A_371, %ne3A_366 : i1
      %add3A_373 = arith.addi %rem3A_364, %select_n3A_363 : i32
      %select_n3A_374 = arith.select %and3A_372, %add3A_373, %rem3A_364 : i32
      %swap3A_375 = arith.index_cast %select_n3A_358 : i32 to index
      %swap3A_376 = arith.index_cast %select_n3A_374 : i32 to index
      %swap3A_377 = arith.constant 48 : index
      %swap3A_378 = tpu.vector_load %arg5[%swap3A_375, %swap3A_376, %swap3A_377] {strides = array<i32>} : memref<2x256x128xf32, #tpu.memory_space<vmem>>, vector<16xf32>,
      tpu.vector_store %arg5[%swap3A_375, %swap3A_376, %swap3A_377], %broadcast_in_dim3A_34 {strides = array<i32>} : memref<2x256x128xf32, #tpu.memory_space<vmem>>, vector<16xf32>,
      %jit3A_379 = arith.constant 256 : i32
      %div3A_380 = arith.divsi %scan3A_213, %jit3A_379 : i32
      %sign3A_381 = arith.constant 0 : i32
      %sign3A_382 = arith.cmpi sgt, %scan3A_213, %sign3A_381 : i32
      %sign3A_383 = arith.extui %sign3A_382 : i1 to i32
      %sign3A_384 = arith.constant 0 : i32
      %sign3A_385 = arith.cmpi slt, %scan3A_213, %sign3A_384 : i32
      %sign3A_386 = arith.extui %sign3A_385 : i1 to i32
      %sign3A_387 = arith.subi %sign3A_383, %sign3A_386 : i32
      %sign3A_388 = arith.constant 0 : i32
      %sign3A_389 = arith.cmpi sgt, %jit3A_379, %sign3A_388 : i32
      %sign3A_390 = arith.extui %sign3A_389 : i1 to i32
      %sign3A_391 = arith.constant 0 : i32
      %sign3A_392 = arith.cmpi slt, %jit3A_379, %sign3A_391 : i32
      %sign3A_393 = arith.extui %sign3A_392 : i1 to i32
      %sign3A_394 = arith.subi %sign3A_390, %sign3A_393 : i32
      %ne3A_395 = arith.cmpi ne, %sign3A_387, %sign3A_394 : i32
      %rem3A_396 = arith.remsi %scan3A_213, %jit3A_379 : i32
      %ne3A_397 = arith.constant 0 : i32
      %ne3A_398 = arith.cmpi ne, %rem3A_396, %ne3A_397 : i32
      %and3A_399 = arith.andi %ne3A_395, %ne3A_398 : i1
      %sub3A_400 = arith.constant 1 : i32
      %sub3A_401 = arith.subi %div3A_380, %sub3A_400 : i32
      %select_n3A_402 = arith.select %and3A_399, %sub3A_401, %div3A_380 : i32
      %jit3A_403 = arith.constant 256 : i32
      %eq3A_404 = arith.constant 0 : i32
      %eq3A_405 = arith.cmpi eq, %jit3A_403, %eq3A_404 : i32
      %jit3A_406 = arith.constant 1 : i32
      %select_n3A_407 = arith.select %eq3A_405, %jit3A_406, %jit3A_403 : i32
      %rem3A_408 = arith.remsi %scan3A_213, %select_n3A_407 : i32
      %ne3A_409 = arith.constant 0 : i32
      %ne3A_410 = arith.cmpi ne, %rem3A_408, %ne3A_409 : i32
      %lt3A_411 = arith.constant 0 : i32
      %lt3A_412 = arith.cmpi slt, %rem3A_408, %lt3A_411 : i32
      %lt3A_413 = arith.constant 0 : i32
      %lt3A_414 = arith.cmpi slt, %select_n3A_407, %lt3A_413 : i32
      %ne3A_415 = arith.xori %lt3A_412, %lt3A_414 : i1
      %and3A_416 = arith.andi %ne3A_415, %ne3A_410 : i1
      %add3A_417 = arith.addi %rem3A_408, %select_n3A_407 : i32
      %select_n3A_418 = arith.select %and3A_416, %add3A_417, %rem3A_408 : i32
      %swap3A_419 = arith.index_cast %select_n3A_402 : i32 to index
      %swap3A_420 = arith.index_cast %select_n3A_418 : i32 to index
      %swap3A_421 = arith.constant 64 : index
      %swap3A_422 = tpu.vector_load %arg5[%swap3A_419, %swap3A_420, %swap3A_421] {strides = array<i32>} : memref<2x256x128xf32, #tpu.memory_space<vmem>>, vector<16xf32>,
      tpu.vector_store %arg5[%swap3A_419, %swap3A_420, %swap3A_421], %broadcast_in_dim3A_34 {strides = array<i32>} : memref<2x256x128xf32, #tpu.memory_space<vmem>>, vector<16xf32>,
      %jit3A_423 = arith.constant 256 : i32
      %div3A_424 = arith.divsi %scan3A_213, %jit3A_423 : i32
      %sign3A_425 = arith.constant 0 : i32
      %sign3A_426 = arith.cmpi sgt, %scan3A_213, %sign3A_425 : i32
      %sign3A_427 = arith.extui %sign3A_426 : i1 to i32
      %sign3A_428 = arith.constant 0 : i32
      %sign3A_429 = arith.cmpi slt, %scan3A_213, %sign3A_428 : i32
      %sign3A_430 = arith.extui %sign3A_429 : i1 to i32
      %sign3A_431 = arith.subi %sign3A_427, %sign3A_430 : i32
      %sign3A_432 = arith.constant 0 : i32
      %sign3A_433 = arith.cmpi sgt, %jit3A_423, %sign3A_432 : i32
      %sign3A_434 = arith.extui %sign3A_433 : i1 to i32
      %sign3A_435 = arith.constant 0 : i32
      %sign3A_436 = arith.cmpi slt, %jit3A_423, %sign3A_435 : i32
      %sign3A_437 = arith.extui %sign3A_436 : i1 to i32
      %sign3A_438 = arith.subi %sign3A_434, %sign3A_437 : i32
      %ne3A_439 = arith.cmpi ne, %sign3A_431, %sign3A_438 : i32
      %rem3A_440 = arith.remsi %scan3A_213, %jit3A_423 : i32
      %ne3A_441 = arith.constant 0 : i32
      %ne3A_442 = arith.cmpi ne, %rem3A_440, %ne3A_441 : i32
      %and3A_443 = arith.andi %ne3A_439, %ne3A_442 : i1
      %sub3A_444 = arith.constant 1 : i32
      %sub3A_445 = arith.subi %div3A_424, %sub3A_444 : i32
      %select_n3A_446 = arith.select %and3A_443, %sub3A_445, %div3A_424 : i32
      %jit3A_447 = arith.constant 256 : i32
      %eq3A_448 = arith.constant 0 : i32
      %eq3A_449 = arith.cmpi eq, %jit3A_447, %eq3A_448 : i32
      %jit3A_450 = arith.constant 1 : i32
      %select_n3A_451 = arith.select %eq3A_449, %jit3A_450, %jit3A_447 : i32
      %rem3A_452 = arith.remsi %scan3A_213, %select_n3A_451 : i32
      %ne3A_453 = arith.constant 0 : i32
      %ne3A_454 = arith.cmpi ne, %rem3A_452, %ne3A_453 : i32
      %lt3A_455 = arith.constant 0 : i32
      %lt3A_456 = arith.cmpi slt, %rem3A_452, %lt3A_455 : i32
      %lt3A_457 = arith.constant 0 : i32
      %lt3A_458 = arith.cmpi slt, %select_n3A_451, %lt3A_457 : i32
      %ne3A_459 = arith.xori %lt3A_456, %lt3A_458 : i1
      %and3A_460 = arith.andi %ne3A_459, %ne3A_454 : i1
      %add3A_461 = arith.addi %rem3A_452, %select_n3A_451 : i32
      %select_n3A_462 = arith.select %and3A_460, %add3A_461, %rem3A_452 : i32
      %swap3A_463 = arith.index_cast %select_n3A_446 : i32 to index
      %swap3A_464 = arith.index_cast %select_n3A_462 : i32 to index
      %swap3A_465 = arith.constant 80 : index
      %swap3A_466 = tpu.vector_load %arg5[%swap3A_463, %swap3A_464, %swap3A_465] {strides = array<i32>} : memref<2x256x128xf32, #tpu.memory_space<vmem>>, vector<16xf32>,
      tpu.vector_store %arg5[%swap3A_463, %swap3A_464, %swap3A_465], %broadcast_in_dim3A_34 {strides = array<i32>} : memref<2x256x128xf32, #tpu.memory_space<vmem>>, vector<16xf32>,
      %jit3A_467 = arith.constant 256 : i32
      %div3A_468 = arith.divsi %scan3A_213, %jit3A_467 : i32
      %sign3A_469 = arith.constant 0 : i32
      %sign3A_470 = arith.cmpi sgt, %scan3A_213, %sign3A_469 : i32
      %sign3A_471 = arith.extui %sign3A_470 : i1 to i32
      %sign3A_472 = arith.constant 0 : i32
      %sign3A_473 = arith.cmpi slt, %scan3A_213, %sign3A_472 : i32
      %sign3A_474 = arith.extui %sign3A_473 : i1 to i32
      %sign3A_475 = arith.subi %sign3A_471, %sign3A_474 : i32
      %sign3A_476 = arith.constant 0 : i32
      %sign3A_477 = arith.cmpi sgt, %jit3A_467, %sign3A_476 : i32
      %sign3A_478 = arith.extui %sign3A_477 : i1 to i32
      %sign3A_479 = arith.constant 0 : i32
      %sign3A_480 = arith.cmpi slt, %jit3A_467, %sign3A_479 : i32
      %sign3A_481 = arith.extui %sign3A_480 : i1 to i32
      %sign3A_482 = arith.subi %sign3A_478, %sign3A_481 : i32
      %ne3A_483 = arith.cmpi ne, %sign3A_475, %sign3A_482 : i32
      %rem3A_484 = arith.remsi %scan3A_213, %jit3A_467 : i32
      %ne3A_485 = arith.constant 0 : i32
      %ne3A_486 = arith.cmpi ne, %rem3A_484, %ne3A_485 : i32
      %and3A_487 = arith.andi %ne3A_483, %ne3A_486 : i1
      %sub3A_488 = arith.constant 1 : i32
      %sub3A_489 = arith.subi %div3A_468, %sub3A_488 : i32
      %select_n3A_490 = arith.select %and3A_487, %sub3A_489, %div3A_468 : i32
      %jit3A_491 = arith.constant 256 : i32
      %eq3A_492 = arith.constant 0 : i32
      %eq3A_493 = arith.cmpi eq, %jit3A_491, %eq3A_492 : i32
      %jit3A_494 = arith.constant 1 : i32
      %select_n3A_495 = arith.select %eq3A_493, %jit3A_494, %jit3A_491 : i32
      %rem3A_496 = arith.remsi %scan3A_213, %select_n3A_495 : i32
      %ne3A_497 = arith.constant 0 : i32
      %ne3A_498 = arith.cmpi ne, %rem3A_496, %ne3A_497 : i32
      %lt3A_499 = arith.constant 0 : i32
      %lt3A_500 = arith.cmpi slt, %rem3A_496, %lt3A_499 : i32
      %lt3A_501 = arith.constant 0 : i32
      %lt3A_502 = arith.cmpi slt, %select_n3A_495, %lt3A_501 : i32
      %ne3A_503 = arith.xori %lt3A_500, %lt3A_502 : i1
      %and3A_504 = arith.andi %ne3A_503, %ne3A_498 : i1
      %add3A_505 = arith.addi %rem3A_496, %select_n3A_495 : i32
      %select_n3A_506 = arith.select %and3A_504, %add3A_505, %rem3A_496 : i32
      %swap3A_507 = arith.index_cast %select_n3A_490 : i32 to index
      %swap3A_508 = arith.index_cast %select_n3A_506 : i32 to index
      %swap3A_509 = arith.constant 96 : index
      %swap3A_510 = tpu.vector_load %arg5[%swap3A_507, %swap3A_508, %swap3A_509] {strides = array<i32>} : memref<2x256x128xf32, #tpu.memory_space<vmem>>, vector<16xf32>,
      tpu.vector_store %arg5[%swap3A_507, %swap3A_508, %swap3A_509], %broadcast_in_dim3A_34 {strides = array<i32>} : memref<2x256x128xf32, #tpu.memory_space<vmem>>, vector<16xf32>,
      %jit3A_511 = arith.constant 256 : i32
      %div3A_512 = arith.divsi %scan3A_213, %jit3A_511 : i32
      %sign3A_513 = arith.constant 0 : i32
      %sign3A_514 = arith.cmpi sgt, %scan3A_213, %sign3A_513 : i32
      %sign3A_515 = arith.extui %sign3A_514 : i1 to i32
      %sign3A_516 = arith.constant 0 : i32
      %sign3A_517 = arith.cmpi slt, %scan3A_213, %sign3A_516 : i32
      %sign3A_518 = arith.extui %sign3A_517 : i1 to i32
      %sign3A_519 = arith.subi %sign3A_515, %sign3A_518 : i32
      %sign3A_520 = arith.constant 0 : i32
      %sign3A_521 = arith.cmpi sgt, %jit3A_511, %sign3A_520 : i32
      %sign3A_522 = arith.extui %sign3A_521 : i1 to i32
      %sign3A_523 = arith.constant 0 : i32
      %sign3A_524 = arith.cmpi slt, %jit3A_511, %sign3A_523 : i32
      %sign3A_525 = arith.extui %sign3A_524 : i1 to i32
      %sign3A_526 = arith.subi %sign3A_522, %sign3A_525 : i32
      %ne3A_527 = arith.cmpi ne, %sign3A_519, %sign3A_526 : i32
      %rem3A_528 = arith.remsi %scan3A_213, %jit3A_511 : i32
      %ne3A_529 = arith.constant 0 : i32
      %ne3A_530 = arith.cmpi ne, %rem3A_528, %ne3A_529 : i32
      %and3A_531 = arith.andi %ne3A_527, %ne3A_530 : i1
      %sub3A_532 = arith.constant 1 : i32
      %sub3A_533 = arith.subi %div3A_512, %sub3A_532 : i32
      %select_n3A_534 = arith.select %and3A_531, %sub3A_533, %div3A_512 : i32
      %jit3A_535 = arith.constant 256 : i32
      %eq3A_536 = arith.constant 0 : i32
      %eq3A_537 = arith.cmpi eq, %jit3A_535, %eq3A_536 : i32
      %jit3A_538 = arith.constant 1 : i32
      %select_n3A_539 = arith.select %eq3A_537, %jit3A_538, %jit3A_535 : i32
      %rem3A_540 = arith.remsi %scan3A_213, %select_n3A_539 : i32
      %ne3A_541 = arith.constant 0 : i32
      %ne3A_542 = arith.cmpi ne, %rem3A_540, %ne3A_541 : i32
      %lt3A_543 = arith.constant 0 : i32
      %lt3A_544 = arith.cmpi slt, %rem3A_540, %lt3A_543 : i32
      %lt3A_545 = arith.constant 0 : i32
      %lt3A_546 = arith.cmpi slt, %select_n3A_539, %lt3A_545 : i32
      %ne3A_547 = arith.xori %lt3A_544, %lt3A_546 : i1
      %and3A_548 = arith.andi %ne3A_547, %ne3A_542 : i1
      %add3A_549 = arith.addi %rem3A_540, %select_n3A_539 : i32
      %select_n3A_550 = arith.select %and3A_548, %add3A_549, %rem3A_540 : i32
      %swap3A_551 = arith.index_cast %select_n3A_534 : i32 to index
      %swap3A_552 = arith.index_cast %select_n3A_550 : i32 to index
      %swap3A_553 = arith.constant 112 : index
      %swap3A_554 = tpu.vector_load %arg5[%swap3A_551, %swap3A_552, %swap3A_553] {strides = array<i32>} : memref<2x256x128xf32, #tpu.memory_space<vmem>>, vector<16xf32>,
      tpu.vector_store %arg5[%swap3A_551, %swap3A_552, %swap3A_553], %broadcast_in_dim3A_34 {strides = array<i32>} : memref<2x256x128xf32, #tpu.memory_space<vmem>>, vector<16xf32>,
    }
    %scan3A_41 = arith.constant 512 : i32
    %dma_wait3A = arith.constant 0 : i32
    %dma_wait3A_42 = tpu.memref_slice %arg4[%dma_wait3A] : memref<4096xi32, #tpu.memory_space<vmem>> -> memref<1024xi32, #tpu.memory_space<vmem>>
    %dma_wait3A_43 = tpu.memref_slice %arg2[%add3A_4] : memref<131072xi32, #tpu.memory_space<hbm>> -> memref<1024xi32, #tpu.memory_space<hbm>>
    %dma_wait3A_44 = arith.constant 0 : i32
    %dma_wait3A_45 = tpu.memref_slice %arg4[%dma_wait3A_44] : memref<4096xi32, #tpu.memory_space<vmem>> -> memref<1024xi32, #tpu.memory_space<vmem>>
    %dma_wait3A_46 = tpu.memref_slice %arg2[%add3A_4] : memref<131072xi32, #tpu.memory_space<hbm>> -> memref<1024xi32, #tpu.memory_space<hbm>>
    tpu.wait_dma2 semaphore(%arg6 : memref<!tpu.dma_semaphore, #tpu.memory_space<semaphore_mem>>) src(%dma_wait3A_46 : memref<1024xi32, #tpu.memory_space<hbm>>) dst(%dma_wait3A_45 : memref<1024xi32, #tpu.memory_space<vmem>>)
    %dma_wait3A_47 = arith.constant 1024 : i32
    %dma_wait3A_48 = tpu.memref_slice %arg4[%dma_wait3A_47] : memref<4096xi32, #tpu.memory_space<vmem>> -> memref<1024xi32, #tpu.memory_space<vmem>>
    %dma_wait3A_49 = tpu.memref_slice %arg2[%add3A_11] : memref<131072xi32, #tpu.memory_space<hbm>> -> memref<1024xi32, #tpu.memory_space<hbm>>
    %dma_wait3A_50 = arith.constant 1024 : i32
    %dma_wait3A_51 = tpu.memref_slice %arg4[%dma_wait3A_50] : memref<4096xi32, #tpu.memory_space<vmem>> -> memref<1024xi32, #tpu.memory_space<vmem>>
    %dma_wait3A_52 = tpu.memref_slice %arg2[%add3A_11] : memref<131072xi32, #tpu.memory_space<hbm>> -> memref<1024xi32, #tpu.memory_space<hbm>>
    tpu.wait_dma2 semaphore(%arg6 : memref<!tpu.dma_semaphore, #tpu.memory_space<semaphore_mem>>) src(%dma_wait3A_52 : memref<1024xi32, #tpu.memory_space<hbm>>) dst(%dma_wait3A_51 : memref<1024xi32, #tpu.memory_space<vmem>>)
    %dma_wait3A_53 = arith.constant 2048 : i32
    %dma_wait3A_54 = tpu.memref_slice %arg4[%dma_wait3A_53] : memref<4096xi32, #tpu.memory_space<vmem>> -> memref<1024xi32, #tpu.memory_space<vmem>>
    %dma_wait3A_55 = tpu.memref_slice %arg2[%add3A_19] : memref<131072xi32, #tpu.memory_space<hbm>> -> memref<1024xi32, #tpu.memory_space<hbm>>
    %dma_wait3A_56 = arith.constant 2048 : i32
    %dma_wait3A_57 = tpu.memref_slice %arg4[%dma_wait3A_56] : memref<4096xi32, #tpu.memory_space<vmem>> -> memref<1024xi32, #tpu.memory_space<vmem>>
    %dma_wait3A_58 = tpu.memref_slice %arg2[%add3A_19] : memref<131072xi32, #tpu.memory_space<hbm>> -> memref<1024xi32, #tpu.memory_space<hbm>>
    tpu.wait_dma2 semaphore(%arg6 : memref<!tpu.dma_semaphore, #tpu.memory_space<semaphore_mem>>) src(%dma_wait3A_58 : memref<1024xi32, #tpu.memory_space<hbm>>) dst(%dma_wait3A_57 : memref<1024xi32, #tpu.memory_space<vmem>>)
    %dma_wait3A_59 = arith.constant 3072 : i32
    %dma_wait3A_60 = tpu.memref_slice %arg4[%dma_wait3A_59] : memref<4096xi32, #tpu.memory_space<vmem>> -> memref<1024xi32, #tpu.memory_space<vmem>>
    %dma_wait3A_61 = tpu.memref_slice %arg2[%add3A_27] : memref<131072xi32, #tpu.memory_space<hbm>> -> memref<1024xi32, #tpu.memory_space<hbm>>
    %dma_wait3A_62 = arith.constant 3072 : i32
    %dma_wait3A_63 = tpu.memref_slice %arg4[%dma_wait3A_62] : memref<4096xi32, #tpu.memory_space<vmem>> -> memref<1024xi32, #tpu.memory_space<vmem>>
    %dma_wait3A_64 = tpu.memref_slice %arg2[%add3A_27] : memref<131072xi32, #tpu.memory_space<hbm>> -> memref<1024xi32, #tpu.memory_space<hbm>>
    tpu.wait_dma2 semaphore(%arg6 : memref<!tpu.dma_semaphore, #tpu.memory_space<semaphore_mem>>) src(%dma_wait3A_64 : memref<1024xi32, #tpu.memory_space<hbm>>) dst(%dma_wait3A_63 : memref<1024xi32, #tpu.memory_space<vmem>>)
    %scan3A_65 = arith.constant 0 : i32
    %scan3A_66 = arith.constant 0 : i32
    %scan3A_67 = arith.constant 16 : i32
    %scan3A_68 = arith.addi %scan3A_66, %scan3A_67 : i32
    %scan3A_69 = arith.constant 1 : i32
    scf.for %scan3A_213 = %scan3A_66 to %scan3A_68 step %scan3A_69  : i32 {
      %mul3A_214 = arith.constant 16 : i32
      %mul3A_215 = arith.muli %scan3A_213, %mul3A_214 : i32
      %add3A_216 = vector.broadcast %mul3A_215 : i32 to vector<16xi32>
      %add3A_217 = arith.addi %add3A_216, %iota3A : vector<16xi32>
      %mul3A_218 = arith.constant 16 : i32
      %mul3A_219 = arith.muli %scan3A_213, %mul3A_218 : i32
      %add3A_220 = arith.constant 0 : i32
      %add3A_221 = arith.addi %add3A_220, %mul3A_219 : i32
      %get3A = arith.index_cast %add3A_221 : i32 to index
      %get3A_222 = tpu.vector_load %arg4[%get3A] {strides = array<i32>} : memref<4096xi32, #tpu.memory_space<vmem>>, vector<16xi32>,
      %jit3A = arith.constant 0 : i32
      %jit3A_223 = arith.constant 12 : i32
      %max3A = vector.broadcast %jit3A : i32 to vector<16xi32>
      %max3A_224 = arith.maxsi %max3A, %get3A_222 : vector<16xi32>
      %min3A = vector.broadcast %jit3A_223 : i32 to vector<16xi32>
      %min3A_225 = arith.minsi %min3A, %max3A_224 : vector<16xi32>
      %add3A_226 = arith.constant 0 : i32
      %add3A_227 = vector.broadcast %add3A_226 : i32 to vector<16xi32>
      %add3A_228 = arith.addi %add3A_227, %min3A_225 : vector<16xi32>
      %scatter3A = arith.constant 0 : i32
      %scatter3A_229 = arith.constant 0 : i32
      %scatter3A_230 = arith.constant 0 : i32
      %scatter3A_231 = tpu.memref_slice %arg5[%scatter3A, %scatter3A_229, %scatter3A_230] : memref<2x256x128xf32, #tpu.memory_space<vmem>> -> memref<1x256x128xf32, #tpu.memory_space<vmem>>
      %scatter3A_232 = tpu.memref_squeeze %scatter3A_231 : memref<1x256x128xf32, #tpu.memory_space<vmem>> -> memref<256x128xf32, #tpu.memory_space<vmem>>
      tpu.vector_store_idx %scatter3A_232[%add3A_217, %add3A_228], %broadcast_in_dim3A_36 : memref<256x128xf32, #tpu.memory_space<vmem>>[vector<16xi32>, vector<16xi32>], vector<16xf32>,
      %mul3A_233 = arith.constant 16 : i32
      %mul3A_234 = arith.muli %scan3A_213, %mul3A_233 : i32
      %add3A_235 = arith.constant 1024 : i32
      %add3A_236 = arith.addi %add3A_235, %mul3A_234 : i32
      %get3A_237 = arith.index_cast %add3A_236 : i32 to index
      %get3A_238 = tpu.vector_load %arg4[%get3A_237] {strides = array<i32>} : memref<4096xi32, #tpu.memory_space<vmem>>, vector<16xi32>,
      %jit3A_239 = arith.constant 0 : i32
      %jit3A_240 = arith.constant 6 : i32
      %max3A_241 = vector.broadcast %jit3A_239 : i32 to vector<16xi32>
      %max3A_242 = arith.maxsi %max3A_241, %get3A_238 : vector<16xi32>
      %min3A_243 = vector.broadcast %jit3A_240 : i32 to vector<16xi32>
      %min3A_244 = arith.minsi %min3A_243, %max3A_242 : vector<16xi32>
      %add3A_245 = arith.constant 16 : i32
      %add3A_246 = vector.broadcast %add3A_245 : i32 to vector<16xi32>
      %add3A_247 = arith.addi %add3A_246, %min3A_244 : vector<16xi32>
      %scatter3A_248 = arith.constant 0 : i32
      %scatter3A_249 = arith.constant 0 : i32
      %scatter3A_250 = arith.constant 0 : i32
      %scatter3A_251 = tpu.memref_slice %arg5[%scatter3A_248, %scatter3A_249, %scatter3A_250] : memref<2x256x128xf32, #tpu.memory_space<vmem>> -> memref<1x256x128xf32, #tpu.memory_space<vmem>>
      %scatter3A_252 = tpu.memref_squeeze %scatter3A_251 : memref<1x256x128xf32, #tpu.memory_space<vmem>> -> memref<256x128xf32, #tpu.memory_space<vmem>>
      tpu.vector_store_idx %scatter3A_252[%add3A_217, %add3A_247], %broadcast_in_dim3A_36 : memref<256x128xf32, #tpu.memory_space<vmem>>[vector<16xi32>, vector<16xi32>], vector<16xf32>,
      %mul3A_253 = arith.constant 16 : i32
      %mul3A_254 = arith.muli %scan3A_213, %mul3A_253 : i32
      %add3A_255 = arith.constant 2048 : i32
      %add3A_256 = arith.addi %add3A_255, %mul3A_254 : i32
      %get3A_257 = arith.index_cast %add3A_256 : i32 to index
      %get3A_258 = tpu.vector_load %arg4[%get3A_257] {strides = array<i32>} : memref<4096xi32, #tpu.memory_space<vmem>>, vector<16xi32>,
      %jit3A_259 = arith.constant 0 : i32
      %jit3A_260 = arith.constant 23 : i32
      %max3A_261 = vector.broadcast %jit3A_259 : i32 to vector<16xi32>
      %max3A_262 = arith.maxsi %max3A_261, %get3A_258 : vector<16xi32>
      %min3A_263 = vector.broadcast %jit3A_260 : i32 to vector<16xi32>
      %min3A_264 = arith.minsi %min3A_263, %max3A_262 : vector<16xi32>
      %add3A_265 = arith.constant 24 : i32
      %add3A_266 = vector.broadcast %add3A_265 : i32 to vector<16xi32>
      %add3A_267 = arith.addi %add3A_266, %min3A_264 : vector<16xi32>
      %scatter3A_268 = arith.constant 0 : i32
      %scatter3A_269 = arith.constant 0 : i32
      %scatter3A_270 = arith.constant 0 : i32
      %scatter3A_271 = tpu.memref_slice %arg5[%scatter3A_268, %scatter3A_269, %scatter3A_270] : memref<2x256x128xf32, #tpu.memory_space<vmem>> -> memref<1x256x128xf32, #tpu.memory_space<vmem>>
      %scatter3A_272 = tpu.memref_squeeze %scatter3A_271 : memref<1x256x128xf32, #tpu.memory_space<vmem>> -> memref<256x128xf32, #tpu.memory_space<vmem>>
      tpu.vector_store_idx %scatter3A_272[%add3A_217, %add3A_267], %broadcast_in_dim3A_36 : memref<256x128xf32, #tpu.memory_space<vmem>>[vector<16xi32>, vector<16xi32>], vector<16xf32>,
      %mul3A_273 = arith.constant 16 : i32
      %mul3A_274 = arith.muli %scan3A_213, %mul3A_273 : i32
      %add3A_275 = arith.constant 3072 : i32
      %add3A_276 = arith.addi %add3A_275, %mul3A_274 : i32
      %get3A_277 = arith.index_cast %add3A_276 : i32 to index
      %get3A_278 = tpu.vector_load %arg4[%get3A_277] {strides = array<i32>} : memref<4096xi32, #tpu.memory_space<vmem>>, vector<16xi32>,
      %jit3A_279 = arith.constant 0 : i32
      %jit3A_280 = arith.constant 31 : i32
      %max3A_281 = vector.broadcast %jit3A_279 : i32 to vector<16xi32>
      %max3A_282 = arith.maxsi %max3A_281, %get3A_278 : vector<16xi32>
      %min3A_283 = vector.broadcast %jit3A_280 : i32 to vector<16xi32>
      %min3A_284 = arith.minsi %min3A_283, %max3A_282 : vector<16xi32>
      %add3A_285 = arith.constant 48 : i32
      %add3A_286 = vector.broadcast %add3A_285 : i32 to vector<16xi32>
      %add3A_287 = arith.addi %add3A_286, %min3A_284 : vector<16xi32>
      %scatter3A_288 = arith.constant 0 : i32
      %scatter3A_289 = arith.constant 0 : i32
      %scatter3A_290 = arith.constant 0 : i32
      %scatter3A_291 = tpu.memref_slice %arg5[%scatter3A_288, %scatter3A_289, %scatter3A_290] : memref<2x256x128xf32, #tpu.memory_space<vmem>> -> memref<1x256x128xf32, #tpu.memory_space<vmem>>
      %scatter3A_292 = tpu.memref_squeeze %scatter3A_291 : memref<1x256x128xf32, #tpu.memory_space<vmem>> -> memref<256x128xf32, #tpu.memory_space<vmem>>
      tpu.vector_store_idx %scatter3A_292[%add3A_217, %add3A_287], %broadcast_in_dim3A_36 : memref<256x128xf32, #tpu.memory_space<vmem>>[vector<16xi32>, vector<16xi32>], vector<16xf32>,
    }
    %scan3A_70 = arith.constant 16 : i32
    %add3A_71 = arith.constant 0 : i32
    %add3A_72 = arith.addi %mul3A_2, %add3A_71 : i32
    %dma_start3A_73 = arith.constant 0 : i32
    %dma_start3A_74 = arith.constant 0 : i32
    %dma_start3A_75 = arith.constant 0 : i32
    %dma_start3A_76 = tpu.memref_slice %arg5[%dma_start3A_73, %dma_start3A_74, %dma_start3A_75] : memref<2x256x128xf32, #tpu.memory_space<vmem>> -> memref<1x256x128xf32, #tpu.memory_space<vmem>>
    %dma_start3A_77 = tpu.memref_squeeze %dma_start3A_76 : memref<1x256x128xf32, #tpu.memory_space<vmem>> -> memref<256x128xf32, #tpu.memory_space<vmem>>
    %dma_start3A_78 = arith.constant 0 : i32
    %dma_start3A_79 = tpu.memref_slice %arg3[%add3A_72, %dma_start3A_78] : memref<32768x128xf32, #tpu.memory_space<hbm>> -> memref<256x128xf32, #tpu.memory_space<hbm>>
    %dma_start3A_80 = arith.constant 0 : i32
    %dma_start3A_81 = tpu.memref_slice %arg3[%add3A_72, %dma_start3A_80] : memref<32768x128xf32, #tpu.memory_space<hbm>> -> memref<256x128xf32, #tpu.memory_space<hbm>>
    %dma_start3A_82 = arith.constant 0 : i32
    %dma_start3A_83 = arith.constant 0 : i32
    %dma_start3A_84 = tpu.memref_slice %arg5[%dma_start3A_73, %dma_start3A_82, %dma_start3A_83] : memref<2x256x128xf32, #tpu.memory_space<vmem>> -> memref<1x256x128xf32, #tpu.memory_space<vmem>>
    %dma_start3A_85 = tpu.memref_squeeze %dma_start3A_84 : memref<1x256x128xf32, #tpu.memory_space<vmem>> -> memref<256x128xf32, #tpu.memory_space<vmem>>
    tpu.enqueue_dma source(%dma_start3A_85 : memref<256x128xf32, #tpu.memory_space<vmem>>) target(%dma_start3A_81 : memref<256x128xf32, #tpu.memory_space<hbm>>) target_semaphore(%arg7 : memref<!tpu.dma_semaphore, #tpu.memory_space<semaphore_mem>>)
    %scan3A_86 = arith.constant 0 : i32
    %scan3A_87 = arith.constant 0 : i32
    %scan3A_88 = arith.constant 16 : i32
    %scan3A_89 = arith.addi %scan3A_87, %scan3A_88 : i32
    %scan3A_90 = arith.constant 1 : i32
    scf.for %scan3A_213 = %scan3A_87 to %scan3A_89 step %scan3A_90  : i32 {
      %mul3A_214 = arith.constant 16 : i32
      %mul3A_215 = arith.muli %scan3A_213, %mul3A_214 : i32
      %add3A_216 = vector.broadcast %mul3A_215 : i32 to vector<16xi32>
      %add3A_217 = arith.addi %add3A_216, %iota3A : vector<16xi32>
      %mul3A_218 = arith.constant 16 : i32
      %mul3A_219 = arith.muli %scan3A_213, %mul3A_218 : i32
      %add3A_220 = arith.constant 256 : i32
      %add3A_221 = arith.addi %add3A_220, %mul3A_219 : i32
      %get3A = arith.index_cast %add3A_221 : i32 to index
      %get3A_222 = tpu.vector_load %arg4[%get3A] {strides = array<i32>} : memref<4096xi32, #tpu.memory_space<vmem>>, vector<16xi32>,
      %jit3A = arith.constant 0 : i32
      %jit3A_223 = arith.constant 12 : i32
      %max3A = vector.broadcast %jit3A : i32 to vector<16xi32>
      %max3A_224 = arith.maxsi %max3A, %get3A_222 : vector<16xi32>
      %min3A = vector.broadcast %jit3A_223 : i32 to vector<16xi32>
      %min3A_225 = arith.minsi %min3A, %max3A_224 : vector<16xi32>
      %add3A_226 = arith.constant 0 : i32
      %add3A_227 = vector.broadcast %add3A_226 : i32 to vector<16xi32>
      %add3A_228 = arith.addi %add3A_227, %min3A_225 : vector<16xi32>
      %scatter3A = arith.constant 1 : i32
      %scatter3A_229 = arith.constant 0 : i32
      %scatter3A_230 = arith.constant 0 : i32
      %scatter3A_231 = tpu.memref_slice %arg5[%scatter3A, %scatter3A_229, %scatter3A_230] : memref<2x256x128xf32, #tpu.memory_space<vmem>> -> memref<1x256x128xf32, #tpu.memory_space<vmem>>
      %scatter3A_232 = tpu.memref_squeeze %scatter3A_231 : memref<1x256x128xf32, #tpu.memory_space<vmem>> -> memref<256x128xf32, #tpu.memory_space<vmem>>
      tpu.vector_store_idx %scatter3A_232[%add3A_217, %add3A_228], %broadcast_in_dim3A_36 : memref<256x128xf32, #tpu.memory_space<vmem>>[vector<16xi32>, vector<16xi32>], vector<16xf32>,
      %mul3A_233 = arith.constant 16 : i32
      %mul3A_234 = arith.muli %scan3A_213, %mul3A_233 : i32
      %add3A_235 = arith.constant 1280 : i32
      %add3A_236 = arith.addi %add3A_235, %mul3A_234 : i32
      %get3A_237 = arith.index_cast %add3A_236 : i32 to index
      %get3A_238 = tpu.vector_load %arg4[%get3A_237] {strides = array<i32>} : memref<4096xi32, #tpu.memory_space<vmem>>, vector<16xi32>,
      %jit3A_239 = arith.constant 0 : i32
      %jit3A_240 = arith.constant 6 : i32
      %max3A_241 = vector.broadcast %jit3A_239 : i32 to vector<16xi32>
      %max3A_242 = arith.maxsi %max3A_241, %get3A_238 : vector<16xi32>
      %min3A_243 = vector.broadcast %jit3A_240 : i32 to vector<16xi32>
      %min3A_244 = arith.minsi %min3A_243, %max3A_242 : vector<16xi32>
      %add3A_245 = arith.constant 16 : i32
      %add3A_246 = vector.broadcast %add3A_245 : i32 to vector<16xi32>
      %add3A_247 = arith.addi %add3A_246, %min3A_244 : vector<16xi32>
      %scatter3A_248 = arith.constant 1 : i32
      %scatter3A_249 = arith.constant 0 : i32
      %scatter3A_250 = arith.constant 0 : i32
      %scatter3A_251 = tpu.memref_slice %arg5[%scatter3A_248, %scatter3A_249, %scatter3A_250] : memref<2x256x128xf32, #tpu.memory_space<vmem>> -> memref<1x256x128xf32, #tpu.memory_space<vmem>>
      %scatter3A_252 = tpu.memref_squeeze %scatter3A_251 : memref<1x256x128xf32, #tpu.memory_space<vmem>> -> memref<256x128xf32, #tpu.memory_space<vmem>>
      tpu.vector_store_idx %scatter3A_252[%add3A_217, %add3A_247], %broadcast_in_dim3A_36 : memref<256x128xf32, #tpu.memory_space<vmem>>[vector<16xi32>, vector<16xi32>], vector<16xf32>,
      %mul3A_253 = arith.constant 16 : i32
      %mul3A_254 = arith.muli %scan3A_213, %mul3A_253 : i32
      %add3A_255 = arith.constant 2304 : i32
      %add3A_256 = arith.addi %add3A_255, %mul3A_254 : i32
      %get3A_257 = arith.index_cast %add3A_256 : i32 to index
      %get3A_258 = tpu.vector_load %arg4[%get3A_257] {strides = array<i32>} : memref<4096xi32, #tpu.memory_space<vmem>>, vector<16xi32>,
      %jit3A_259 = arith.constant 0 : i32
      %jit3A_260 = arith.constant 23 : i32
      %max3A_261 = vector.broadcast %jit3A_259 : i32 to vector<16xi32>
      %max3A_262 = arith.maxsi %max3A_261, %get3A_258 : vector<16xi32>
      %min3A_263 = vector.broadcast %jit3A_260 : i32 to vector<16xi32>
      %min3A_264 = arith.minsi %min3A_263, %max3A_262 : vector<16xi32>
      %add3A_265 = arith.constant 24 : i32
      %add3A_266 = vector.broadcast %add3A_265 : i32 to vector<16xi32>
      %add3A_267 = arith.addi %add3A_266, %min3A_264 : vector<16xi32>
      %scatter3A_268 = arith.constant 1 : i32
      %scatter3A_269 = arith.constant 0 : i32
      %scatter3A_270 = arith.constant 0 : i32
      %scatter3A_271 = tpu.memref_slice %arg5[%scatter3A_268, %scatter3A_269, %scatter3A_270] : memref<2x256x128xf32, #tpu.memory_space<vmem>> -> memref<1x256x128xf32, #tpu.memory_space<vmem>>
      %scatter3A_272 = tpu.memref_squeeze %scatter3A_271 : memref<1x256x128xf32, #tpu.memory_space<vmem>> -> memref<256x128xf32, #tpu.memory_space<vmem>>
      tpu.vector_store_idx %scatter3A_272[%add3A_217, %add3A_267], %broadcast_in_dim3A_36 : memref<256x128xf32, #tpu.memory_space<vmem>>[vector<16xi32>, vector<16xi32>], vector<16xf32>,
      %mul3A_273 = arith.constant 16 : i32
      %mul3A_274 = arith.muli %scan3A_213, %mul3A_273 : i32
      %add3A_275 = arith.constant 3328 : i32
      %add3A_276 = arith.addi %add3A_275, %mul3A_274 : i32
      %get3A_277 = arith.index_cast %add3A_276 : i32 to index
      %get3A_278 = tpu.vector_load %arg4[%get3A_277] {strides = array<i32>} : memref<4096xi32, #tpu.memory_space<vmem>>, vector<16xi32>,
      %jit3A_279 = arith.constant 0 : i32
      %jit3A_280 = arith.constant 31 : i32
      %max3A_281 = vector.broadcast %jit3A_279 : i32 to vector<16xi32>
      %max3A_282 = arith.maxsi %max3A_281, %get3A_278 : vector<16xi32>
      %min3A_283 = vector.broadcast %jit3A_280 : i32 to vector<16xi32>
      %min3A_284 = arith.minsi %min3A_283, %max3A_282 : vector<16xi32>
      %add3A_285 = arith.constant 48 : i32
      %add3A_286 = vector.broadcast %add3A_285 : i32 to vector<16xi32>
      %add3A_287 = arith.addi %add3A_286, %min3A_284 : vector<16xi32>
      %scatter3A_288 = arith.constant 1 : i32
      %scatter3A_289 = arith.constant 0 : i32
      %scatter3A_290 = arith.constant 0 : i32
      %scatter3A_291 = tpu.memref_slice %arg5[%scatter3A_288, %scatter3A_289, %scatter3A_290] : memref<2x256x128xf32, #tpu.memory_space<vmem>> -> memref<1x256x128xf32, #tpu.memory_space<vmem>>
      %scatter3A_292 = tpu.memref_squeeze %scatter3A_291 : memref<1x256x128xf32, #tpu.memory_space<vmem>> -> memref<256x128xf32, #tpu.memory_space<vmem>>
      tpu.vector_store_idx %scatter3A_292[%add3A_217, %add3A_287], %broadcast_in_dim3A_36 : memref<256x128xf32, #tpu.memory_space<vmem>>[vector<16xi32>, vector<16xi32>], vector<16xf32>,
    }
    %scan3A_91 = arith.constant 16 : i32
    %add3A_92 = arith.constant 256 : i32
    %add3A_93 = arith.addi %mul3A_2, %add3A_92 : i32
    %dma_start3A_94 = arith.constant 1 : i32
    %dma_start3A_95 = arith.constant 0 : i32
    %dma_start3A_96 = arith.constant 0 : i32
    %dma_start3A_97 = tpu.memref_slice %arg5[%dma_start3A_94, %dma_start3A_95, %dma_start3A_96] : memref<2x256x128xf32, #tpu.memory_space<vmem>> -> memref<1x256x128xf32, #tpu.memory_space<vmem>>
    %dma_start3A_98 = tpu.memref_squeeze %dma_start3A_97 : memref<1x256x128xf32, #tpu.memory_space<vmem>> -> memref<256x128xf32, #tpu.memory_space<vmem>>
    %dma_start3A_99 = arith.constant 0 : i32
    %dma_start3A_100 = tpu.memref_slice %arg3[%add3A_93, %dma_start3A_99] : memref<32768x128xf32, #tpu.memory_space<hbm>> -> memref<256x128xf32, #tpu.memory_space<hbm>>
    %dma_start3A_101 = arith.constant 0 : i32
    %dma_start3A_102 = tpu.memref_slice %arg3[%add3A_93, %dma_start3A_101] : memref<32768x128xf32, #tpu.memory_space<hbm>> -> memref<256x128xf32, #tpu.memory_space<hbm>>
    %dma_start3A_103 = arith.constant 0 : i32
    %dma_start3A_104 = arith.constant 0 : i32
    %dma_start3A_105 = tpu.memref_slice %arg5[%dma_start3A_94, %dma_start3A_103, %dma_start3A_104] : memref<2x256x128xf32, #tpu.memory_space<vmem>> -> memref<1x256x128xf32, #tpu.memory_space<vmem>>
    %dma_start3A_106 = tpu.memref_squeeze %dma_start3A_105 : memref<1x256x128xf32, #tpu.memory_space<vmem>> -> memref<256x128xf32, #tpu.memory_space<vmem>>
    tpu.enqueue_dma source(%dma_start3A_106 : memref<256x128xf32, #tpu.memory_space<vmem>>) target(%dma_start3A_102 : memref<256x128xf32, #tpu.memory_space<hbm>>) target_semaphore(%arg8 : memref<!tpu.dma_semaphore, #tpu.memory_space<semaphore_mem>>)
    %dma_wait3A_107 = arith.constant 0 : i32
    %dma_wait3A_108 = arith.constant 0 : i32
    %dma_wait3A_109 = arith.constant 0 : i32
    %dma_wait3A_110 = tpu.memref_slice %arg5[%dma_wait3A_107, %dma_wait3A_108, %dma_wait3A_109] : memref<2x256x128xf32, #tpu.memory_space<vmem>> -> memref<1x256x128xf32, #tpu.memory_space<vmem>>
    %dma_wait3A_111 = tpu.memref_squeeze %dma_wait3A_110 : memref<1x256x128xf32, #tpu.memory_space<vmem>> -> memref<256x128xf32, #tpu.memory_space<vmem>>
    %dma_wait3A_112 = arith.constant 0 : i32
    %dma_wait3A_113 = tpu.memref_slice %arg3[%add3A_72, %dma_wait3A_112] : memref<32768x128xf32, #tpu.memory_space<hbm>> -> memref<256x128xf32, #tpu.memory_space<hbm>>
    %dma_wait3A_114 = arith.constant 0 : i32
    %dma_wait3A_115 = tpu.memref_slice %arg3[%add3A_72, %dma_wait3A_114] : memref<32768x128xf32, #tpu.memory_space<hbm>> -> memref<256x128xf32, #tpu.memory_space<hbm>>
    %dma_wait3A_116 = arith.constant 0 : i32
    %dma_wait3A_117 = arith.constant 0 : i32
    %dma_wait3A_118 = tpu.memref_slice %arg5[%dma_wait3A_107, %dma_wait3A_116, %dma_wait3A_117] : memref<2x256x128xf32, #tpu.memory_space<vmem>> -> memref<1x256x128xf32, #tpu.memory_space<vmem>>
    %dma_wait3A_119 = tpu.memref_squeeze %dma_wait3A_118 : memref<1x256x128xf32, #tpu.memory_space<vmem>> -> memref<256x128xf32, #tpu.memory_space<vmem>>
    tpu.wait_dma2 semaphore(%arg7 : memref<!tpu.dma_semaphore, #tpu.memory_space<semaphore_mem>>) src(%dma_wait3A_119 : memref<256x128xf32, #tpu.memory_space<vmem>>) dst(%dma_wait3A_115 : memref<256x128xf32, #tpu.memory_space<hbm>>)
    %scan3A_120 = arith.constant 0 : i32
    %scan3A_121 = arith.constant 0 : i32
    %scan3A_122 = arith.constant 16 : i32
    %scan3A_123 = arith.addi %scan3A_121, %scan3A_122 : i32
    %scan3A_124 = arith.constant 1 : i32
    scf.for %scan3A_213 = %scan3A_121 to %scan3A_123 step %scan3A_124  : i32 {
      %mul3A_214 = arith.constant 16 : i32
      %mul3A_215 = arith.muli %scan3A_213, %mul3A_214 : i32
      %add3A_216 = vector.broadcast %mul3A_215 : i32 to vector<16xi32>
      %add3A_217 = arith.addi %add3A_216, %iota3A : vector<16xi32>
      %mul3A_218 = arith.constant 16 : i32
      %mul3A_219 = arith.muli %scan3A_213, %mul3A_218 : i32
      %add3A_220 = arith.constant 0 : i32
      %add3A_221 = arith.addi %add3A_220, %mul3A_219 : i32
      %get3A = arith.index_cast %add3A_221 : i32 to index
      %get3A_222 = tpu.vector_load %arg4[%get3A] {strides = array<i32>} : memref<4096xi32, #tpu.memory_space<vmem>>, vector<16xi32>,
      %jit3A = arith.constant 0 : i32
      %jit3A_223 = arith.constant 12 : i32
      %max3A = vector.broadcast %jit3A : i32 to vector<16xi32>
      %max3A_224 = arith.maxsi %max3A, %get3A_222 : vector<16xi32>
      %min3A = vector.broadcast %jit3A_223 : i32 to vector<16xi32>
      %min3A_225 = arith.minsi %min3A, %max3A_224 : vector<16xi32>
      %add3A_226 = arith.constant 0 : i32
      %add3A_227 = vector.broadcast %add3A_226 : i32 to vector<16xi32>
      %add3A_228 = arith.addi %add3A_227, %min3A_225 : vector<16xi32>
      %scatter3A = arith.constant 0 : i32
      %scatter3A_229 = arith.constant 0 : i32
      %scatter3A_230 = arith.constant 0 : i32
      %scatter3A_231 = tpu.memref_slice %arg5[%scatter3A, %scatter3A_229, %scatter3A_230] : memref<2x256x128xf32, #tpu.memory_space<vmem>> -> memref<1x256x128xf32, #tpu.memory_space<vmem>>
      %scatter3A_232 = tpu.memref_squeeze %scatter3A_231 : memref<1x256x128xf32, #tpu.memory_space<vmem>> -> memref<256x128xf32, #tpu.memory_space<vmem>>
      tpu.vector_store_idx %scatter3A_232[%add3A_217, %add3A_228], %broadcast_in_dim3A_34 : memref<256x128xf32, #tpu.memory_space<vmem>>[vector<16xi32>, vector<16xi32>], vector<16xf32>,
      %mul3A_233 = arith.constant 16 : i32
      %mul3A_234 = arith.muli %scan3A_213, %mul3A_233 : i32
      %add3A_235 = arith.constant 1024 : i32
      %add3A_236 = arith.addi %add3A_235, %mul3A_234 : i32
      %get3A_237 = arith.index_cast %add3A_236 : i32 to index
      %get3A_238 = tpu.vector_load %arg4[%get3A_237] {strides = array<i32>} : memref<4096xi32, #tpu.memory_space<vmem>>, vector<16xi32>,
      %jit3A_239 = arith.constant 0 : i32
      %jit3A_240 = arith.constant 6 : i32
      %max3A_241 = vector.broadcast %jit3A_239 : i32 to vector<16xi32>
      %max3A_242 = arith.maxsi %max3A_241, %get3A_238 : vector<16xi32>
      %min3A_243 = vector.broadcast %jit3A_240 : i32 to vector<16xi32>
      %min3A_244 = arith.minsi %min3A_243, %max3A_242 : vector<16xi32>
      %add3A_245 = arith.constant 16 : i32
      %add3A_246 = vector.broadcast %add3A_245 : i32 to vector<16xi32>
      %add3A_247 = arith.addi %add3A_246, %min3A_244 : vector<16xi32>
      %scatter3A_248 = arith.constant 0 : i32
      %scatter3A_249 = arith.constant 0 : i32
      %scatter3A_250 = arith.constant 0 : i32
      %scatter3A_251 = tpu.memref_slice %arg5[%scatter3A_248, %scatter3A_249, %scatter3A_250] : memref<2x256x128xf32, #tpu.memory_space<vmem>> -> memref<1x256x128xf32, #tpu.memory_space<vmem>>
      %scatter3A_252 = tpu.memref_squeeze %scatter3A_251 : memref<1x256x128xf32, #tpu.memory_space<vmem>> -> memref<256x128xf32, #tpu.memory_space<vmem>>
      tpu.vector_store_idx %scatter3A_252[%add3A_217, %add3A_247], %broadcast_in_dim3A_34 : memref<256x128xf32, #tpu.memory_space<vmem>>[vector<16xi32>, vector<16xi32>], vector<16xf32>,
      %mul3A_253 = arith.constant 16 : i32
      %mul3A_254 = arith.muli %scan3A_213, %mul3A_253 : i32
      %add3A_255 = arith.constant 2048 : i32
      %add3A_256 = arith.addi %add3A_255, %mul3A_254 : i32
      %get3A_257 = arith.index_cast %add3A_256 : i32 to index
      %get3A_258 = tpu.vector_load %arg4[%get3A_257] {strides = array<i32>} : memref<4096xi32, #tpu.memory_space<vmem>>, vector<16xi32>,
      %jit3A_259 = arith.constant 0 : i32
      %jit3A_260 = arith.constant 23 : i32
      %max3A_261 = vector.broadcast %jit3A_259 : i32 to vector<16xi32>
      %max3A_262 = arith.maxsi %max3A_261, %get3A_258 : vector<16xi32>
      %min3A_263 = vector.broadcast %jit3A_260 : i32 to vector<16xi32>
      %min3A_264 = arith.minsi %min3A_263, %max3A_262 : vector<16xi32>
      %add3A_265 = arith.constant 24 : i32
      %add3A_266 = vector.broadcast %add3A_265 : i32 to vector<16xi32>
      %add3A_267 = arith.addi %add3A_266, %min3A_264 : vector<16xi32>
      %scatter3A_268 = arith.constant 0 : i32
      %scatter3A_269 = arith.constant 0 : i32
      %scatter3A_270 = arith.constant 0 : i32
      %scatter3A_271 = tpu.memref_slice %arg5[%scatter3A_268, %scatter3A_269, %scatter3A_270] : memref<2x256x128xf32, #tpu.memory_space<vmem>> -> memref<1x256x128xf32, #tpu.memory_space<vmem>>
      %scatter3A_272 = tpu.memref_squeeze %scatter3A_271 : memref<1x256x128xf32, #tpu.memory_space<vmem>> -> memref<256x128xf32, #tpu.memory_space<vmem>>
      tpu.vector_store_idx %scatter3A_272[%add3A_217, %add3A_267], %broadcast_in_dim3A_34 : memref<256x128xf32, #tpu.memory_space<vmem>>[vector<16xi32>, vector<16xi32>], vector<16xf32>,
      %mul3A_273 = arith.constant 16 : i32
      %mul3A_274 = arith.muli %scan3A_213, %mul3A_273 : i32
      %add3A_275 = arith.constant 3072 : i32
      %add3A_276 = arith.addi %add3A_275, %mul3A_274 : i32
      %get3A_277 = arith.index_cast %add3A_276 : i32 to index
      %get3A_278 = tpu.vector_load %arg4[%get3A_277] {strides = array<i32>} : memref<4096xi32, #tpu.memory_space<vmem>>, vector<16xi32>,
      %jit3A_279 = arith.constant 0 : i32
      %jit3A_280 = arith.constant 31 : i32
      %max3A_281 = vector.broadcast %jit3A_279 : i32 to vector<16xi32>
      %max3A_282 = arith.maxsi %max3A_281, %get3A_278 : vector<16xi32>
      %min3A_283 = vector.broadcast %jit3A_280 : i32 to vector<16xi32>
      %min3A_284 = arith.minsi %min3A_283, %max3A_282 : vector<16xi32>
      %add3A_285 = arith.constant 48 : i32
      %add3A_286 = vector.broadcast %add3A_285 : i32 to vector<16xi32>
      %add3A_287 = arith.addi %add3A_286, %min3A_284 : vector<16xi32>
      %scatter3A_288 = arith.constant 0 : i32
      %scatter3A_289 = arith.constant 0 : i32
      %scatter3A_290 = arith.constant 0 : i32
      %scatter3A_291 = tpu.memref_slice %arg5[%scatter3A_288, %scatter3A_289, %scatter3A_290] : memref<2x256x128xf32, #tpu.memory_space<vmem>> -> memref<1x256x128xf32, #tpu.memory_space<vmem>>
      %scatter3A_292 = tpu.memref_squeeze %scatter3A_291 : memref<1x256x128xf32, #tpu.memory_space<vmem>> -> memref<256x128xf32, #tpu.memory_space<vmem>>
      tpu.vector_store_idx %scatter3A_292[%add3A_217, %add3A_287], %broadcast_in_dim3A_34 : memref<256x128xf32, #tpu.memory_space<vmem>>[vector<16xi32>, vector<16xi32>], vector<16xf32>,
    }
    %scan3A_125 = arith.constant 16 : i32
    %scan3A_126 = arith.constant 0 : i32
    %scan3A_127 = arith.constant 0 : i32
    %scan3A_128 = arith.constant 16 : i32
    %scan3A_129 = arith.addi %scan3A_127, %scan3A_128 : i32
    %scan3A_130 = arith.constant 1 : i32
    scf.for %scan3A_213 = %scan3A_127 to %scan3A_129 step %scan3A_130  : i32 {
      %mul3A_214 = arith.constant 16 : i32
      %mul3A_215 = arith.muli %scan3A_213, %mul3A_214 : i32
      %add3A_216 = vector.broadcast %mul3A_215 : i32 to vector<16xi32>
      %add3A_217 = arith.addi %add3A_216, %iota3A : vector<16xi32>
      %mul3A_218 = arith.constant 16 : i32
      %mul3A_219 = arith.muli %scan3A_213, %mul3A_218 : i32
      %add3A_220 = arith.constant 512 : i32
      %add3A_221 = arith.addi %add3A_220, %mul3A_219 : i32
      %get3A = arith.index_cast %add3A_221 : i32 to index
      %get3A_222 = tpu.vector_load %arg4[%get3A] {strides = array<i32>} : memref<4096xi32, #tpu.memory_space<vmem>>, vector<16xi32>,
      %jit3A = arith.constant 0 : i32
      %jit3A_223 = arith.constant 12 : i32
      %max3A = vector.broadcast %jit3A : i32 to vector<16xi32>
      %max3A_224 = arith.maxsi %max3A, %get3A_222 : vector<16xi32>
      %min3A = vector.broadcast %jit3A_223 : i32 to vector<16xi32>
      %min3A_225 = arith.minsi %min3A, %max3A_224 : vector<16xi32>
      %add3A_226 = arith.constant 0 : i32
      %add3A_227 = vector.broadcast %add3A_226 : i32 to vector<16xi32>
      %add3A_228 = arith.addi %add3A_227, %min3A_225 : vector<16xi32>
      %scatter3A = arith.constant 0 : i32
      %scatter3A_229 = arith.constant 0 : i32
      %scatter3A_230 = arith.constant 0 : i32
      %scatter3A_231 = tpu.memref_slice %arg5[%scatter3A, %scatter3A_229, %scatter3A_230] : memref<2x256x128xf32, #tpu.memory_space<vmem>> -> memref<1x256x128xf32, #tpu.memory_space<vmem>>
      %scatter3A_232 = tpu.memref_squeeze %scatter3A_231 : memref<1x256x128xf32, #tpu.memory_space<vmem>> -> memref<256x128xf32, #tpu.memory_space<vmem>>
      tpu.vector_store_idx %scatter3A_232[%add3A_217, %add3A_228], %broadcast_in_dim3A_36 : memref<256x128xf32, #tpu.memory_space<vmem>>[vector<16xi32>, vector<16xi32>], vector<16xf32>,
      %mul3A_233 = arith.constant 16 : i32
      %mul3A_234 = arith.muli %scan3A_213, %mul3A_233 : i32
      %add3A_235 = arith.constant 1536 : i32
      %add3A_236 = arith.addi %add3A_235, %mul3A_234 : i32
      %get3A_237 = arith.index_cast %add3A_236 : i32 to index
      %get3A_238 = tpu.vector_load %arg4[%get3A_237] {strides = array<i32>} : memref<4096xi32, #tpu.memory_space<vmem>>, vector<16xi32>,
      %jit3A_239 = arith.constant 0 : i32
      %jit3A_240 = arith.constant 6 : i32
      %max3A_241 = vector.broadcast %jit3A_239 : i32 to vector<16xi32>
      %max3A_242 = arith.maxsi %max3A_241, %get3A_238 : vector<16xi32>
      %min3A_243 = vector.broadcast %jit3A_240 : i32 to vector<16xi32>
      %min3A_244 = arith.minsi %min3A_243, %max3A_242 : vector<16xi32>
      %add3A_245 = arith.constant 16 : i32
      %add3A_246 = vector.broadcast %add3A_245 : i32 to vector<16xi32>
      %add3A_247 = arith.addi %add3A_246, %min3A_244 : vector<16xi32>
      %scatter3A_248 = arith.constant 0 : i32
      %scatter3A_249 = arith.constant 0 : i32
      %scatter3A_250 = arith.constant 0 : i32
      %scatter3A_251 = tpu.memref_slice %arg5[%scatter3A_248, %scatter3A_249, %scatter3A_250] : memref<2x256x128xf32, #tpu.memory_space<vmem>> -> memref<1x256x128xf32, #tpu.memory_space<vmem>>
      %scatter3A_252 = tpu.memref_squeeze %scatter3A_251 : memref<1x256x128xf32, #tpu.memory_space<vmem>> -> memref<256x128xf32, #tpu.memory_space<vmem>>
      tpu.vector_store_idx %scatter3A_252[%add3A_217, %add3A_247], %broadcast_in_dim3A_36 : memref<256x128xf32, #tpu.memory_space<vmem>>[vector<16xi32>, vector<16xi32>], vector<16xf32>,
      %mul3A_253 = arith.constant 16 : i32
      %mul3A_254 = arith.muli %scan3A_213, %mul3A_253 : i32
      %add3A_255 = arith.constant 2560 : i32
      %add3A_256 = arith.addi %add3A_255, %mul3A_254 : i32
      %get3A_257 = arith.index_cast %add3A_256 : i32 to index
      %get3A_258 = tpu.vector_load %arg4[%get3A_257] {strides = array<i32>} : memref<4096xi32, #tpu.memory_space<vmem>>, vector<16xi32>,
      %jit3A_259 = arith.constant 0 : i32
      %jit3A_260 = arith.constant 23 : i32
      %max3A_261 = vector.broadcast %jit3A_259 : i32 to vector<16xi32>
      %max3A_262 = arith.maxsi %max3A_261, %get3A_258 : vector<16xi32>
      %min3A_263 = vector.broadcast %jit3A_260 : i32 to vector<16xi32>
      %min3A_264 = arith.minsi %min3A_263, %max3A_262 : vector<16xi32>
      %add3A_265 = arith.constant 24 : i32
      %add3A_266 = vector.broadcast %add3A_265 : i32 to vector<16xi32>
      %add3A_267 = arith.addi %add3A_266, %min3A_264 : vector<16xi32>
      %scatter3A_268 = arith.constant 0 : i32
      %scatter3A_269 = arith.constant 0 : i32
      %scatter3A_270 = arith.constant 0 : i32
      %scatter3A_271 = tpu.memref_slice %arg5[%scatter3A_268, %scatter3A_269, %scatter3A_270] : memref<2x256x128xf32, #tpu.memory_space<vmem>> -> memref<1x256x128xf32, #tpu.memory_space<vmem>>
      %scatter3A_272 = tpu.memref_squeeze %scatter3A_271 : memref<1x256x128xf32, #tpu.memory_space<vmem>> -> memref<256x128xf32, #tpu.memory_space<vmem>>
      tpu.vector_store_idx %scatter3A_272[%add3A_217, %add3A_267], %broadcast_in_dim3A_36 : memref<256x128xf32, #tpu.memory_space<vmem>>[vector<16xi32>, vector<16xi32>], vector<16xf32>,
      %mul3A_273 = arith.constant 16 : i32
      %mul3A_274 = arith.muli %scan3A_213, %mul3A_273 : i32
      %add3A_275 = arith.constant 3584 : i32
      %add3A_276 = arith.addi %add3A_275, %mul3A_274 : i32
      %get3A_277 = arith.index_cast %add3A_276 : i32 to index
      %get3A_278 = tpu.vector_load %arg4[%get3A_277] {strides = array<i32>} : memref<4096xi32, #tpu.memory_space<vmem>>, vector<16xi32>,
      %jit3A_279 = arith.constant 0 : i32
      %jit3A_280 = arith.constant 31 : i32
      %max3A_281 = vector.broadcast %jit3A_279 : i32 to vector<16xi32>
      %max3A_282 = arith.maxsi %max3A_281, %get3A_278 : vector<16xi32>
      %min3A_283 = vector.broadcast %jit3A_280 : i32 to vector<16xi32>
      %min3A_284 = arith.minsi %min3A_283, %max3A_282 : vector<16xi32>
      %add3A_285 = arith.constant 48 : i32
      %add3A_286 = vector.broadcast %add3A_285 : i32 to vector<16xi32>
      %add3A_287 = arith.addi %add3A_286, %min3A_284 : vector<16xi32>
      %scatter3A_288 = arith.constant 0 : i32
      %scatter3A_289 = arith.constant 0 : i32
      %scatter3A_290 = arith.constant 0 : i32
      %scatter3A_291 = tpu.memref_slice %arg5[%scatter3A_288, %scatter3A_289, %scatter3A_290] : memref<2x256x128xf32, #tpu.memory_space<vmem>> -> memref<1x256x128xf32, #tpu.memory_space<vmem>>
      %scatter3A_292 = tpu.memref_squeeze %scatter3A_291 : memref<1x256x128xf32, #tpu.memory_space<vmem>> -> memref<256x128xf32, #tpu.memory_space<vmem>>
      tpu.vector_store_idx %scatter3A_292[%add3A_217, %add3A_287], %broadcast_in_dim3A_36 : memref<256x128xf32, #tpu.memory_space<vmem>>[vector<16xi32>, vector<16xi32>], vector<16xf32>,
    }
    %scan3A_131 = arith.constant 16 : i32
    %add3A_132 = arith.constant 512 : i32
    %add3A_133 = arith.addi %mul3A_2, %add3A_132 : i32
    %dma_start3A_134 = arith.constant 0 : i32
    %dma_start3A_135 = arith.constant 0 : i32
    %dma_start3A_136 = arith.constant 0 : i32
    %dma_start3A_137 = tpu.memref_slice %arg5[%dma_start3A_134, %dma_start3A_135, %dma_start3A_136] : memref<2x256x128xf32, #tpu.memory_space<vmem>> -> memref<1x256x128xf32, #tpu.memory_space<vmem>>
    %dma_start3A_138 = tpu.memref_squeeze %dma_start3A_137 : memref<1x256x128xf32, #tpu.memory_space<vmem>> -> memref<256x128xf32, #tpu.memory_space<vmem>>
    %dma_start3A_139 = arith.constant 0 : i32
    %dma_start3A_140 = tpu.memref_slice %arg3[%add3A_133, %dma_start3A_139] : memref<32768x128xf32, #tpu.memory_space<hbm>> -> memref<256x128xf32, #tpu.memory_space<hbm>>
    %dma_start3A_141 = arith.constant 0 : i32
    %dma_start3A_142 = tpu.memref_slice %arg3[%add3A_133, %dma_start3A_141] : memref<32768x128xf32, #tpu.memory_space<hbm>> -> memref<256x128xf32, #tpu.memory_space<hbm>>
    %dma_start3A_143 = arith.constant 0 : i32
    %dma_start3A_144 = arith.constant 0 : i32
    %dma_start3A_145 = tpu.memref_slice %arg5[%dma_start3A_134, %dma_start3A_143, %dma_start3A_144] : memref<2x256x128xf32, #tpu.memory_space<vmem>> -> memref<1x256x128xf32, #tpu.memory_space<vmem>>
    %dma_start3A_146 = tpu.memref_squeeze %dma_start3A_145 : memref<1x256x128xf32, #tpu.memory_space<vmem>> -> memref<256x128xf32, #tpu.memory_space<vmem>>
    tpu.enqueue_dma source(%dma_start3A_146 : memref<256x128xf32, #tpu.memory_space<vmem>>) target(%dma_start3A_142 : memref<256x128xf32, #tpu.memory_space<hbm>>) target_semaphore(%arg7 : memref<!tpu.dma_semaphore, #tpu.memory_space<semaphore_mem>>)
    %dma_wait3A_147 = arith.constant 1 : i32
    %dma_wait3A_148 = arith.constant 0 : i32
    %dma_wait3A_149 = arith.constant 0 : i32
    %dma_wait3A_150 = tpu.memref_slice %arg5[%dma_wait3A_147, %dma_wait3A_148, %dma_wait3A_149] : memref<2x256x128xf32, #tpu.memory_space<vmem>> -> memref<1x256x128xf32, #tpu.memory_space<vmem>>
    %dma_wait3A_151 = tpu.memref_squeeze %dma_wait3A_150 : memref<1x256x128xf32, #tpu.memory_space<vmem>> -> memref<256x128xf32, #tpu.memory_space<vmem>>
    %dma_wait3A_152 = arith.constant 0 : i32
    %dma_wait3A_153 = tpu.memref_slice %arg3[%add3A_93, %dma_wait3A_152] : memref<32768x128xf32, #tpu.memory_space<hbm>> -> memref<256x128xf32, #tpu.memory_space<hbm>>
    %dma_wait3A_154 = arith.constant 0 : i32
    %dma_wait3A_155 = tpu.memref_slice %arg3[%add3A_93, %dma_wait3A_154] : memref<32768x128xf32, #tpu.memory_space<hbm>> -> memref<256x128xf32, #tpu.memory_space<hbm>>
    %dma_wait3A_156 = arith.constant 0 : i32
    %dma_wait3A_157 = arith.constant 0 : i32
    %dma_wait3A_158 = tpu.memref_slice %arg5[%dma_wait3A_147, %dma_wait3A_156, %dma_wait3A_157] : memref<2x256x128xf32, #tpu.memory_space<vmem>> -> memref<1x256x128xf32, #tpu.memory_space<vmem>>
    %dma_wait3A_159 = tpu.memref_squeeze %dma_wait3A_158 : memref<1x256x128xf32, #tpu.memory_space<vmem>> -> memref<256x128xf32, #tpu.memory_space<vmem>>
    tpu.wait_dma2 semaphore(%arg8 : memref<!tpu.dma_semaphore, #tpu.memory_space<semaphore_mem>>) src(%dma_wait3A_159 : memref<256x128xf32, #tpu.memory_space<vmem>>) dst(%dma_wait3A_155 : memref<256x128xf32, #tpu.memory_space<hbm>>)
    %scan3A_160 = arith.constant 0 : i32
    %scan3A_161 = arith.constant 0 : i32
    %scan3A_162 = arith.constant 16 : i32
    %scan3A_163 = arith.addi %scan3A_161, %scan3A_162 : i32
    %scan3A_164 = arith.constant 1 : i32
    scf.for %scan3A_213 = %scan3A_161 to %scan3A_163 step %scan3A_164  : i32 {
      %mul3A_214 = arith.constant 16 : i32
      %mul3A_215 = arith.muli %scan3A_213, %mul3A_214 : i32
      %add3A_216 = vector.broadcast %mul3A_215 : i32 to vector<16xi32>
      %add3A_217 = arith.addi %add3A_216, %iota3A : vector<16xi32>
      %mul3A_218 = arith.constant 16 : i32
      %mul3A_219 = arith.muli %scan3A_213, %mul3A_218 : i32
      %add3A_220 = arith.constant 256 : i32
      %add3A_221 = arith.addi %add3A_220, %mul3A_219 : i32
      %get3A = arith.index_cast %add3A_221 : i32 to index
      %get3A_222 = tpu.vector_load %arg4[%get3A] {strides = array<i32>} : memref<4096xi32, #tpu.memory_space<vmem>>, vector<16xi32>,
      %jit3A = arith.constant 0 : i32
      %jit3A_223 = arith.constant 12 : i32
      %max3A = vector.broadcast %jit3A : i32 to vector<16xi32>
      %max3A_224 = arith.maxsi %max3A, %get3A_222 : vector<16xi32>
      %min3A = vector.broadcast %jit3A_223 : i32 to vector<16xi32>
      %min3A_225 = arith.minsi %min3A, %max3A_224 : vector<16xi32>
      %add3A_226 = arith.constant 0 : i32
      %add3A_227 = vector.broadcast %add3A_226 : i32 to vector<16xi32>
      %add3A_228 = arith.addi %add3A_227, %min3A_225 : vector<16xi32>
      %scatter3A = arith.constant 1 : i32
      %scatter3A_229 = arith.constant 0 : i32
      %scatter3A_230 = arith.constant 0 : i32
      %scatter3A_231 = tpu.memref_slice %arg5[%scatter3A, %scatter3A_229, %scatter3A_230] : memref<2x256x128xf32, #tpu.memory_space<vmem>> -> memref<1x256x128xf32, #tpu.memory_space<vmem>>
      %scatter3A_232 = tpu.memref_squeeze %scatter3A_231 : memref<1x256x128xf32, #tpu.memory_space<vmem>> -> memref<256x128xf32, #tpu.memory_space<vmem>>
      tpu.vector_store_idx %scatter3A_232[%add3A_217, %add3A_228], %broadcast_in_dim3A_34 : memref<256x128xf32, #tpu.memory_space<vmem>>[vector<16xi32>, vector<16xi32>], vector<16xf32>,
      %mul3A_233 = arith.constant 16 : i32
      %mul3A_234 = arith.muli %scan3A_213, %mul3A_233 : i32
      %add3A_235 = arith.constant 1280 : i32
      %add3A_236 = arith.addi %add3A_235, %mul3A_234 : i32
      %get3A_237 = arith.index_cast %add3A_236 : i32 to index
      %get3A_238 = tpu.vector_load %arg4[%get3A_237] {strides = array<i32>} : memref<4096xi32, #tpu.memory_space<vmem>>, vector<16xi32>,
      %jit3A_239 = arith.constant 0 : i32
      %jit3A_240 = arith.constant 6 : i32
      %max3A_241 = vector.broadcast %jit3A_239 : i32 to vector<16xi32>
      %max3A_242 = arith.maxsi %max3A_241, %get3A_238 : vector<16xi32>
      %min3A_243 = vector.broadcast %jit3A_240 : i32 to vector<16xi32>
      %min3A_244 = arith.minsi %min3A_243, %max3A_242 : vector<16xi32>
      %add3A_245 = arith.constant 16 : i32
      %add3A_246 = vector.broadcast %add3A_245 : i32 to vector<16xi32>
      %add3A_247 = arith.addi %add3A_246, %min3A_244 : vector<16xi32>
      %scatter3A_248 = arith.constant 1 : i32
      %scatter3A_249 = arith.constant 0 : i32
      %scatter3A_250 = arith.constant 0 : i32
      %scatter3A_251 = tpu.memref_slice %arg5[%scatter3A_248, %scatter3A_249, %scatter3A_250] : memref<2x256x128xf32, #tpu.memory_space<vmem>> -> memref<1x256x128xf32, #tpu.memory_space<vmem>>
      %scatter3A_252 = tpu.memref_squeeze %scatter3A_251 : memref<1x256x128xf32, #tpu.memory_space<vmem>> -> memref<256x128xf32, #tpu.memory_space<vmem>>
      tpu.vector_store_idx %scatter3A_252[%add3A_217, %add3A_247], %broadcast_in_dim3A_34 : memref<256x128xf32, #tpu.memory_space<vmem>>[vector<16xi32>, vector<16xi32>], vector<16xf32>,
      %mul3A_253 = arith.constant 16 : i32
      %mul3A_254 = arith.muli %scan3A_213, %mul3A_253 : i32
      %add3A_255 = arith.constant 2304 : i32
      %add3A_256 = arith.addi %add3A_255, %mul3A_254 : i32
      %get3A_257 = arith.index_cast %add3A_256 : i32 to index
      %get3A_258 = tpu.vector_load %arg4[%get3A_257] {strides = array<i32>} : memref<4096xi32, #tpu.memory_space<vmem>>, vector<16xi32>,
      %jit3A_259 = arith.constant 0 : i32
      %jit3A_260 = arith.constant 23 : i32
      %max3A_261 = vector.broadcast %jit3A_259 : i32 to vector<16xi32>
      %max3A_262 = arith.maxsi %max3A_261, %get3A_258 : vector<16xi32>
      %min3A_263 = vector.broadcast %jit3A_260 : i32 to vector<16xi32>
      %min3A_264 = arith.minsi %min3A_263, %max3A_262 : vector<16xi32>
      %add3A_265 = arith.constant 24 : i32
      %add3A_266 = vector.broadcast %add3A_265 : i32 to vector<16xi32>
      %add3A_267 = arith.addi %add3A_266, %min3A_264 : vector<16xi32>
      %scatter3A_268 = arith.constant 1 : i32
      %scatter3A_269 = arith.constant 0 : i32
      %scatter3A_270 = arith.constant 0 : i32
      %scatter3A_271 = tpu.memref_slice %arg5[%scatter3A_268, %scatter3A_269, %scatter3A_270] : memref<2x256x128xf32, #tpu.memory_space<vmem>> -> memref<1x256x128xf32, #tpu.memory_space<vmem>>
      %scatter3A_272 = tpu.memref_squeeze %scatter3A_271 : memref<1x256x128xf32, #tpu.memory_space<vmem>> -> memref<256x128xf32, #tpu.memory_space<vmem>>
      tpu.vector_store_idx %scatter3A_272[%add3A_217, %add3A_267], %broadcast_in_dim3A_34 : memref<256x128xf32, #tpu.memory_space<vmem>>[vector<16xi32>, vector<16xi32>], vector<16xf32>,
      %mul3A_273 = arith.constant 16 : i32
      %mul3A_274 = arith.muli %scan3A_213, %mul3A_273 : i32
      %add3A_275 = arith.constant 3328 : i32
      %add3A_276 = arith.addi %add3A_275, %mul3A_274 : i32
      %get3A_277 = arith.index_cast %add3A_276 : i32 to index
      %get3A_278 = tpu.vector_load %arg4[%get3A_277] {strides = array<i32>} : memref<4096xi32, #tpu.memory_space<vmem>>, vector<16xi32>,
      %jit3A_279 = arith.constant 0 : i32
      %jit3A_280 = arith.constant 31 : i32
      %max3A_281 = vector.broadcast %jit3A_279 : i32 to vector<16xi32>
      %max3A_282 = arith.maxsi %max3A_281, %get3A_278 : vector<16xi32>
      %min3A_283 = vector.broadcast %jit3A_280 : i32 to vector<16xi32>
      %min3A_284 = arith.minsi %min3A_283, %max3A_282 : vector<16xi32>
      %add3A_285 = arith.constant 48 : i32
      %add3A_286 = vector.broadcast %add3A_285 : i32 to vector<16xi32>
      %add3A_287 = arith.addi %add3A_286, %min3A_284 : vector<16xi32>
      %scatter3A_288 = arith.constant 1 : i32
      %scatter3A_289 = arith.constant 0 : i32
      %scatter3A_290 = arith.constant 0 : i32
      %scatter3A_291 = tpu.memref_slice %arg5[%scatter3A_288, %scatter3A_289, %scatter3A_290] : memref<2x256x128xf32, #tpu.memory_space<vmem>> -> memref<1x256x128xf32, #tpu.memory_space<vmem>>
      %scatter3A_292 = tpu.memref_squeeze %scatter3A_291 : memref<1x256x128xf32, #tpu.memory_space<vmem>> -> memref<256x128xf32, #tpu.memory_space<vmem>>
      tpu.vector_store_idx %scatter3A_292[%add3A_217, %add3A_287], %broadcast_in_dim3A_34 : memref<256x128xf32, #tpu.memory_space<vmem>>[vector<16xi32>, vector<16xi32>], vector<16xf32>,
    }
    %scan3A_165 = arith.constant 16 : i32
    %scan3A_166 = arith.constant 0 : i32
    %scan3A_167 = arith.constant 0 : i32
    %scan3A_168 = arith.constant 16 : i32
    %scan3A_169 = arith.addi %scan3A_167, %scan3A_168 : i32
    %scan3A_170 = arith.constant 1 : i32
    scf.for %scan3A_213 = %scan3A_167 to %scan3A_169 step %scan3A_170  : i32 {
      %mul3A_214 = arith.constant 16 : i32
      %mul3A_215 = arith.muli %scan3A_213, %mul3A_214 : i32
      %add3A_216 = vector.broadcast %mul3A_215 : i32 to vector<16xi32>
      %add3A_217 = arith.addi %add3A_216, %iota3A : vector<16xi32>
      %mul3A_218 = arith.constant 16 : i32
      %mul3A_219 = arith.muli %scan3A_213, %mul3A_218 : i32
      %add3A_220 = arith.constant 768 : i32
      %add3A_221 = arith.addi %add3A_220, %mul3A_219 : i32
      %get3A = arith.index_cast %add3A_221 : i32 to index
      %get3A_222 = tpu.vector_load %arg4[%get3A] {strides = array<i32>} : memref<4096xi32, #tpu.memory_space<vmem>>, vector<16xi32>,
      %jit3A = arith.constant 0 : i32
      %jit3A_223 = arith.constant 12 : i32
      %max3A = vector.broadcast %jit3A : i32 to vector<16xi32>
      %max3A_224 = arith.maxsi %max3A, %get3A_222 : vector<16xi32>
      %min3A = vector.broadcast %jit3A_223 : i32 to vector<16xi32>
      %min3A_225 = arith.minsi %min3A, %max3A_224 : vector<16xi32>
      %add3A_226 = arith.constant 0 : i32
      %add3A_227 = vector.broadcast %add3A_226 : i32 to vector<16xi32>
      %add3A_228 = arith.addi %add3A_227, %min3A_225 : vector<16xi32>
      %scatter3A = arith.constant 1 : i32
      %scatter3A_229 = arith.constant 0 : i32
      %scatter3A_230 = arith.constant 0 : i32
      %scatter3A_231 = tpu.memref_slice %arg5[%scatter3A, %scatter3A_229, %scatter3A_230] : memref<2x256x128xf32, #tpu.memory_space<vmem>> -> memref<1x256x128xf32, #tpu.memory_space<vmem>>
      %scatter3A_232 = tpu.memref_squeeze %scatter3A_231 : memref<1x256x128xf32, #tpu.memory_space<vmem>> -> memref<256x128xf32, #tpu.memory_space<vmem>>
      tpu.vector_store_idx %scatter3A_232[%add3A_217, %add3A_228], %broadcast_in_dim3A_36 : memref<256x128xf32, #tpu.memory_space<vmem>>[vector<16xi32>, vector<16xi32>], vector<16xf32>,
      %mul3A_233 = arith.constant 16 : i32
      %mul3A_234 = arith.muli %scan3A_213, %mul3A_233 : i32
      %add3A_235 = arith.constant 1792 : i32
      %add3A_236 = arith.addi %add3A_235, %mul3A_234 : i32
      %get3A_237 = arith.index_cast %add3A_236 : i32 to index
      %get3A_238 = tpu.vector_load %arg4[%get3A_237] {strides = array<i32>} : memref<4096xi32, #tpu.memory_space<vmem>>, vector<16xi32>,
      %jit3A_239 = arith.constant 0 : i32
      %jit3A_240 = arith.constant 6 : i32
      %max3A_241 = vector.broadcast %jit3A_239 : i32 to vector<16xi32>
      %max3A_242 = arith.maxsi %max3A_241, %get3A_238 : vector<16xi32>
      %min3A_243 = vector.broadcast %jit3A_240 : i32 to vector<16xi32>
      %min3A_244 = arith.minsi %min3A_243, %max3A_242 : vector<16xi32>
      %add3A_245 = arith.constant 16 : i32
      %add3A_246 = vector.broadcast %add3A_245 : i32 to vector<16xi32>
      %add3A_247 = arith.addi %add3A_246, %min3A_244 : vector<16xi32>
      %scatter3A_248 = arith.constant 1 : i32
      %scatter3A_249 = arith.constant 0 : i32
      %scatter3A_250 = arith.constant 0 : i32
      %scatter3A_251 = tpu.memref_slice %arg5[%scatter3A_248, %scatter3A_249, %scatter3A_250] : memref<2x256x128xf32, #tpu.memory_space<vmem>> -> memref<1x256x128xf32, #tpu.memory_space<vmem>>
      %scatter3A_252 = tpu.memref_squeeze %scatter3A_251 : memref<1x256x128xf32, #tpu.memory_space<vmem>> -> memref<256x128xf32, #tpu.memory_space<vmem>>
      tpu.vector_store_idx %scatter3A_252[%add3A_217, %add3A_247], %broadcast_in_dim3A_36 : memref<256x128xf32, #tpu.memory_space<vmem>>[vector<16xi32>, vector<16xi32>], vector<16xf32>,
      %mul3A_253 = arith.constant 16 : i32
      %mul3A_254 = arith.muli %scan3A_213, %mul3A_253 : i32
      %add3A_255 = arith.constant 2816 : i32
      %add3A_256 = arith.addi %add3A_255, %mul3A_254 : i32
      %get3A_257 = arith.index_cast %add3A_256 : i32 to index
      %get3A_258 = tpu.vector_load %arg4[%get3A_257] {strides = array<i32>} : memref<4096xi32, #tpu.memory_space<vmem>>, vector<16xi32>,
      %jit3A_259 = arith.constant 0 : i32
      %jit3A_260 = arith.constant 23 : i32
      %max3A_261 = vector.broadcast %jit3A_259 : i32 to vector<16xi32>
      %max3A_262 = arith.maxsi %max3A_261, %get3A_258 : vector<16xi32>
      %min3A_263 = vector.broadcast %jit3A_260 : i32 to vector<16xi32>
      %min3A_264 = arith.minsi %min3A_263, %max3A_262 : vector<16xi32>
      %add3A_265 = arith.constant 24 : i32
      %add3A_266 = vector.broadcast %add3A_265 : i32 to vector<16xi32>
      %add3A_267 = arith.addi %add3A_266, %min3A_264 : vector<16xi32>
      %scatter3A_268 = arith.constant 1 : i32
      %scatter3A_269 = arith.constant 0 : i32
      %scatter3A_270 = arith.constant 0 : i32
      %scatter3A_271 = tpu.memref_slice %arg5[%scatter3A_268, %scatter3A_269, %scatter3A_270] : memref<2x256x128xf32, #tpu.memory_space<vmem>> -> memref<1x256x128xf32, #tpu.memory_space<vmem>>
      %scatter3A_272 = tpu.memref_squeeze %scatter3A_271 : memref<1x256x128xf32, #tpu.memory_space<vmem>> -> memref<256x128xf32, #tpu.memory_space<vmem>>
      tpu.vector_store_idx %scatter3A_272[%add3A_217, %add3A_267], %broadcast_in_dim3A_36 : memref<256x128xf32, #tpu.memory_space<vmem>>[vector<16xi32>, vector<16xi32>], vector<16xf32>,
      %mul3A_273 = arith.constant 16 : i32
      %mul3A_274 = arith.muli %scan3A_213, %mul3A_273 : i32
      %add3A_275 = arith.constant 3840 : i32
      %add3A_276 = arith.addi %add3A_275, %mul3A_274 : i32
      %get3A_277 = arith.index_cast %add3A_276 : i32 to index
      %get3A_278 = tpu.vector_load %arg4[%get3A_277] {strides = array<i32>} : memref<4096xi32, #tpu.memory_space<vmem>>, vector<16xi32>,
      %jit3A_279 = arith.constant 0 : i32
      %jit3A_280 = arith.constant 31 : i32
      %max3A_281 = vector.broadcast %jit3A_279 : i32 to vector<16xi32>
      %max3A_282 = arith.maxsi %max3A_281, %get3A_278 : vector<16xi32>
      %min3A_283 = vector.broadcast %jit3A_280 : i32 to vector<16xi32>
      %min3A_284 = arith.minsi %min3A_283, %max3A_282 : vector<16xi32>
      %add3A_285 = arith.constant 48 : i32
      %add3A_286 = vector.broadcast %add3A_285 : i32 to vector<16xi32>
      %add3A_287 = arith.addi %add3A_286, %min3A_284 : vector<16xi32>
      %scatter3A_288 = arith.constant 1 : i32
      %scatter3A_289 = arith.constant 0 : i32
      %scatter3A_290 = arith.constant 0 : i32
      %scatter3A_291 = tpu.memref_slice %arg5[%scatter3A_288, %scatter3A_289, %scatter3A_290] : memref<2x256x128xf32, #tpu.memory_space<vmem>> -> memref<1x256x128xf32, #tpu.memory_space<vmem>>
      %scatter3A_292 = tpu.memref_squeeze %scatter3A_291 : memref<1x256x128xf32, #tpu.memory_space<vmem>> -> memref<256x128xf32, #tpu.memory_space<vmem>>
      tpu.vector_store_idx %scatter3A_292[%add3A_217, %add3A_287], %broadcast_in_dim3A_36 : memref<256x128xf32, #tpu.memory_space<vmem>>[vector<16xi32>, vector<16xi32>], vector<16xf32>,
    }
    %scan3A_171 = arith.constant 16 : i32
    %add3A_172 = arith.constant 768 : i32
    %add3A_173 = arith.addi %mul3A_2, %add3A_172 : i32
    %dma_start3A_174 = arith.constant 1 : i32
    %dma_start3A_175 = arith.constant 0 : i32
    %dma_start3A_176 = arith.constant 0 : i32
    %dma_start3A_177 = tpu.memref_slice %arg5[%dma_start3A_174, %dma_start3A_175, %dma_start3A_176] : memref<2x256x128xf32, #tpu.memory_space<vmem>> -> memref<1x256x128xf32, #tpu.memory_space<vmem>>
    %dma_start3A_178 = tpu.memref_squeeze %dma_start3A_177 : memref<1x256x128xf32, #tpu.memory_space<vmem>> -> memref<256x128xf32, #tpu.memory_space<vmem>>
    %dma_start3A_179 = arith.constant 0 : i32
    %dma_start3A_180 = tpu.memref_slice %arg3[%add3A_173, %dma_start3A_179] : memref<32768x128xf32, #tpu.memory_space<hbm>> -> memref<256x128xf32, #tpu.memory_space<hbm>>
    %dma_start3A_181 = arith.constant 0 : i32
    %dma_start3A_182 = tpu.memref_slice %arg3[%add3A_173, %dma_start3A_181] : memref<32768x128xf32, #tpu.memory_space<hbm>> -> memref<256x128xf32, #tpu.memory_space<hbm>>
    %dma_start3A_183 = arith.constant 0 : i32
    %dma_start3A_184 = arith.constant 0 : i32
    %dma_start3A_185 = tpu.memref_slice %arg5[%dma_start3A_174, %dma_start3A_183, %dma_start3A_184] : memref<2x256x128xf32, #tpu.memory_space<vmem>> -> memref<1x256x128xf32, #tpu.memory_space<vmem>>
    %dma_start3A_186 = tpu.memref_squeeze %dma_start3A_185 : memref<1x256x128xf32, #tpu.memory_space<vmem>> -> memref<256x128xf32, #tpu.memory_space<vmem>>
    tpu.enqueue_dma source(%dma_start3A_186 : memref<256x128xf32, #tpu.memory_space<vmem>>) target(%dma_start3A_182 : memref<256x128xf32, #tpu.memory_space<hbm>>) target_semaphore(%arg8 : memref<!tpu.dma_semaphore, #tpu.memory_space<semaphore_mem>>)
    %dma_wait3A_187 = arith.constant 0 : i32
    %dma_wait3A_188 = arith.constant 0 : i32
    %dma_wait3A_189 = arith.constant 0 : i32
    %dma_wait3A_190 = tpu.memref_slice %arg5[%dma_wait3A_187, %dma_wait3A_188, %dma_wait3A_189] : memref<2x256x128xf32, #tpu.memory_space<vmem>> -> memref<1x256x128xf32, #tpu.memory_space<vmem>>
    %dma_wait3A_191 = tpu.memref_squeeze %dma_wait3A_190 : memref<1x256x128xf32, #tpu.memory_space<vmem>> -> memref<256x128xf32, #tpu.memory_space<vmem>>
    %dma_wait3A_192 = arith.constant 0 : i32
    %dma_wait3A_193 = tpu.memref_slice %arg3[%add3A_133, %dma_wait3A_192] : memref<32768x128xf32, #tpu.memory_space<hbm>> -> memref<256x128xf32, #tpu.memory_space<hbm>>
    %dma_wait3A_194 = arith.constant 0 : i32
    %dma_wait3A_195 = tpu.memref_slice %arg3[%add3A_133, %dma_wait3A_194] : memref<32768x128xf32, #tpu.memory_space<hbm>> -> memref<256x128xf32, #tpu.memory_space<hbm>>
    %dma_wait3A_196 = arith.constant 0 : i32
    %dma_wait3A_197 = arith.constant 0 : i32
    %dma_wait3A_198 = tpu.memref_slice %arg5[%dma_wait3A_187, %dma_wait3A_196, %dma_wait3A_197] : memref<2x256x128xf32, #tpu.memory_space<vmem>> -> memref<1x256x128xf32, #tpu.memory_space<vmem>>
    %dma_wait3A_199 = tpu.memref_squeeze %dma_wait3A_198 : memref<1x256x128xf32, #tpu.memory_space<vmem>> -> memref<256x128xf32, #tpu.memory_space<vmem>>
    tpu.wait_dma2 semaphore(%arg7 : memref<!tpu.dma_semaphore, #tpu.memory_space<semaphore_mem>>) src(%dma_wait3A_199 : memref<256x128xf32, #tpu.memory_space<vmem>>) dst(%dma_wait3A_195 : memref<256x128xf32, #tpu.memory_space<hbm>>)
    %dma_wait3A_200 = arith.constant 1 : i32
    %dma_wait3A_201 = arith.constant 0 : i32
    %dma_wait3A_202 = arith.constant 0 : i32
    %dma_wait3A_203 = tpu.memref_slice %arg5[%dma_wait3A_200, %dma_wait3A_201, %dma_wait3A_202] : memref<2x256x128xf32, #tpu.memory_space<vmem>> -> memref<1x256x128xf32, #tpu.memory_space<vmem>>
    %dma_wait3A_204 = tpu.memref_squeeze %dma_wait3A_203 : memref<1x256x128xf32, #tpu.memory_space<vmem>> -> memref<256x128xf32, #tpu.memory_space<vmem>>
    %dma_wait3A_205 = arith.constant 0 : i32
    %dma_wait3A_206 = tpu.memref_slice %arg3[%add3A_173, %dma_wait3A_205] : memref<32768x128xf32, #tpu.memory_space<hbm>> -> memref<256x128xf32, #tpu.memory_space<hbm>>
    %dma_wait3A_207 = arith.constant 0 : i32
    %dma_wait3A_208 = tpu.memref_slice %arg3[%add3A_173, %dma_wait3A_207] : memref<32768x128xf32, #tpu.memory_space<hbm>> -> memref<256x128xf32, #tpu.memory_space<hbm>>
    %dma_wait3A_209 = arith.constant 0 : i32
    %dma_wait3A_210 = arith.constant 0 : i32
    %dma_wait3A_211 = tpu.memref_slice %arg5[%dma_wait3A_200, %dma_wait3A_209, %dma_wait3A_210] : memref<2x256x128xf32, #tpu.memory_space<vmem>> -> memref<1x256x128xf32, #tpu.memory_space<vmem>>
    %dma_wait3A_212 = tpu.memref_squeeze %dma_wait3A_211 : memref<1x256x128xf32, #tpu.memory_space<vmem>> -> memref<256x128xf32, #tpu.memory_space<vmem>>
    tpu.wait_dma2 semaphore(%arg8 : memref<!tpu.dma_semaphore, #tpu.memory_space<semaphore_mem>>) src(%dma_wait3A_212 : memref<256x128xf32, #tpu.memory_space<vmem>>) dst(%dma_wait3A_208 : memref<256x128xf32, #tpu.memory_space<hbm>>)
    return
  }
}

module attributes {stable_mosaic.version = 14 : i64} {
  func.func @_proj_kernel(%arg0: memref<128x256xf32, #tpu.memory_space<vmem>>, %arg1: memref<4096x256xf32, #tpu.memory_space<vmem>>, %arg2: memref<1x4096xf32, #tpu.memory_space<vmem>>, %arg3: memref<128x4096xbf16, #tpu.memory_space<vmem>>) attributes {dimension_semantics = [], scalar_prefetch = 0 : i64, scratch_operands = 0 : i64, tpu.core_type = #tpu.core_type<tc>} {
    %get3A = arith.constant 0 : index
    %get3A_0 = arith.constant 0 : index
    %get3A_1 = vector.load %arg0[%get3A, %get3A_0] : memref<128x256xf32, #tpu.memory_space<vmem>>, vector<128x256xf32>
    %get3A_2 = arith.constant 0 : index
    %get3A_3 = arith.constant 0 : index
    %get3A_4 = vector.load %arg1[%get3A_2, %get3A_3] : memref<4096x256xf32, #tpu.memory_space<vmem>>, vector<4096x256xf32>
    %dot_general3A = arith.constant dense<0.000000e+00> : vector<128x4096xf32>
    %dot_general3A_5 = tpu.matmul %get3A_1, %get3A_4, %dot_general3A {dimension_numbers = #tpu.dot_dimension_numbers<[1], [1], [0], [0], [0, 0, 1, 0], [], []>, transpose_lhs_hint = false} : vector<128x256xf32>, vector<4096x256xf32>, vector<128x4096xf32> -> vector<128x4096xf32>
    %mul3A = arith.constant 5.000000e-01 : f32
    %mul3A_6 = vector.broadcast %mul3A : f32 to vector<128x4096xf32>
    %mul3A_7 = arith.mulf %dot_general3A_5, %mul3A_6 : vector<128x4096xf32>
    %get3A_8 = arith.constant 0 : index
    %get3A_9 = arith.constant 0 : index
    %get3A_10 = vector.load %arg2[%get3A_8, %get3A_9] : memref<1x4096xf32, #tpu.memory_space<vmem>>, vector<1x4096xf32>
    %mul3A_11 = arith.constant 1.250000e-01 : f32
    %mul3A_12 = vector.broadcast %mul3A_11 : f32 to vector<1x4096xf32>
    %mul3A_13 = arith.mulf %mul3A_12, %get3A_10 : vector<1x4096xf32>
    %add3A = vector.broadcast %mul3A_13 : vector<1x4096xf32> to vector<128x4096xf32>
    %add3A_14 = arith.addf %mul3A_7, %add3A : vector<128x4096xf32>
    %convert_element_type3A = arith.truncf %add3A_14 : vector<128x4096xf32> to vector<128x4096xbf16>
    %swap3A = arith.constant 0 : index
    %swap3A_15 = arith.constant 0 : index
    %swap3A_16 = vector.load %arg3[%swap3A, %swap3A_15] : memref<128x4096xbf16, #tpu.memory_space<vmem>>, vector<128x4096xbf16>
    tpu.vector_store %arg3[%swap3A, %swap3A_15], %convert_element_type3A {strides = array<i32>} : memref<128x4096xbf16, #tpu.memory_space<vmem>>, vector<128x4096xbf16>,
    return
  }
}

module attributes {stable_mosaic.version = 14 : i64} {
  func.func @_mm_kernel(%arg0: i32, %arg1: i32, %arg2: memref<2048x128xf32, #tpu.memory_space<vmem>>, %arg3: memref<128x2048xbf16, #tpu.memory_space<vmem>>, %arg4: memref<2048x2048xf32, #tpu.memory_space<vmem>>) attributes {dimension_semantics = [#tpu.dimension_semantics<arbitrary>, #tpu.dimension_semantics<arbitrary>], iteration_bounds = array<i64: 16, 2>, scalar_prefetch = 0 : i64, scratch_operands = 0 : i64, tpu.core_type = #tpu.core_type<tc>, window_params = [{transform_indices = @transform_0, window_bounds = array<i64: 2048, 128>}, {transform_indices = @transform_1, window_bounds = array<i64: 128, 2048>}, {transform_indices = @transform_2, window_bounds = array<i64: 2048, 2048>}]} {
    %get3A = arith.constant 0 : index
    %get3A_0 = arith.constant 0 : index
    %get3A_1 = vector.load %arg2[%get3A, %get3A_0] : memref<2048x128xf32, #tpu.memory_space<vmem>>, vector<2048x128xf32>
    %convert_element_type3A = arith.truncf %get3A_1 : vector<2048x128xf32> to vector<2048x128xbf16>
    %get3A_2 = arith.constant 0 : index
    %get3A_3 = arith.constant 0 : index
    %get3A_4 = vector.load %arg3[%get3A_2, %get3A_3] : memref<128x2048xbf16, #tpu.memory_space<vmem>>, vector<128x2048xbf16>
    %dot_general3A = arith.constant dense<0.000000e+00> : vector<2048x2048xf32>
    %dot_general3A_5 = tpu.matmul %convert_element_type3A, %get3A_4, %dot_general3A {dimension_numbers = #tpu.dot_dimension_numbers<[1], [0], [0], [1], [0, 0, 1, 1], [], []>, transpose_lhs_hint = false} : vector<2048x128xbf16>, vector<128x2048xbf16>, vector<2048x2048xf32> -> vector<2048x2048xf32>
    %swap3A = arith.constant 0 : index
    %swap3A_6 = arith.constant 0 : index
    %swap3A_7 = vector.load %arg4[%swap3A, %swap3A_6] : memref<2048x2048xf32, #tpu.memory_space<vmem>>, vector<2048x2048xf32>
    tpu.vector_store %arg4[%swap3A, %swap3A_6], %dot_general3A_5 {strides = array<i32>} : memref<2048x2048xf32, #tpu.memory_space<vmem>>, vector<2048x2048xf32>,
    return
  }
  func.func @transform_0(%arg0: i32, %arg1: i32) -> (i32, i32) {
    %c0_i32 = arith.constant 0 : i32
    %c0_i32_0 = arith.constant 0 : i32
    return %arg0, %c0_i32 : i32, i32
  }
  func.func @transform_1(%arg0: i32, %arg1: i32) -> (i32, i32) {
    %c0_i32 = arith.constant 0 : i32
    %c0_i32_0 = arith.constant 0 : i32
    return %c0_i32, %arg1 : i32, i32
  }
  func.func @transform_2(%arg0: i32, %arg1: i32) -> (i32, i32) {
    %c0_i32 = arith.constant 0 : i32
    return %arg0, %arg1 : i32, i32
  }
}

</mosaic_0001>

<sc_bundles>
// kernel: kernel.5.cloned.1.call-start
scs
__scs_entry_jumppad:
0x0: {  	(pc) =	sbr.rel $0x88, $3  }
0x1: {  	(tag) =	ssettag $0x0;
	lr =	simm.s32 $0x1  }
0x2: {  	[smem:$0x3F9A] =	sst lr;
	_ =	strace $0xD0000000  }
0x3: {  	_ = 	snop  }
0x4: {  	_ = 	snop  }
0x5: {  	_ = 	snop  }
0x6: {  	_ = 	snop  }
0x7: {  	_ = 	snop  }
__scs_overlays_trampoline_lowered:
0x8: {  	[smem:$0x3FA9] =	sst s0  }
0x9: {  	[smem:$0x3FAA] =	sst s1  }
0xa: {  	[smem:$0x3FAB] =	sst s2  }
0xb: {  	[smem:$0x3FAC] =	sst s3  }
0xc: {  	[smem:$0x3FAD] =	sst s4  }
0xd: {  	[smem:$0x3FAE] =	sst s5  }
0xe: {  	[smem:$0x3FAF] =	sst s6  }
0xf: {  	[smem:$0x3FB0] =	sst s7  }
0x10: {  	[smem:$0x3FB1] =	sst s8  }
0x11: {  	[smem:$0x3FB2] =	sst s9;
	s0 =	simm.s32 @!p0 $0x0  }
0x12: {  	s1 =	sld [smem:$0x3F98];
	s0 =	simm.s32 @p0 $0x1  }
0x13: {  	[smem:$0x3FB3] =	sst s0;
	s0 =	simm.s32 @!p1 $0x0  }
0x14: {  	s2 =	sld [smem:$0x3F97];
	s0 =	simm.s32 @p1 $0x1  }
0x15: {  	[smem:$0x3FB4] =	sst s0;
	s0 =	simm.s32 @!p2 $0x0  }
0x16: {  	s3 =	sld [smem:$0x3FDB];
	s0 =	simm.s32 @p2 $0x1  }
0x17: {  	s4 =	simm.s32 $0x1BF5;
	[smem:$0x3FB6] =	sst s0  }
0x18: {  	s0 =	sld [smem:$0x3F99];
	_ =	swait.ge [sflag:s4], $0x0  }
0x19: {  	s7 =	sld [smem:$0x3F9A]  }
0x1a: {  	s8 =	sadd.s32 $0xFFFFE003, lr  }
0x1b: {  	s9 =	sadd.s32 $0xFFFFFEF7, lr;
	s5 =	simm.s32 $0xFFFFFFFF;
	p2 =	slt.u32 s8, $0xFFFFF086  }
0x1c: {  	p1 =	slt.u32 s9, $0xF7A;
	s5 =	simm.s32 @!p2 $0x0  }
0x1d: {  	s5 =	simm.s32 @p1 $0x1;
	p0 =	seq.s32 s7, s2  }
0x1e: {  	s7 =	smul.u32 @!p0 $0xF7A, s2;
	p2 =	seq.s32 @!p0 s5, $0x0  }
0x1f: {  	s9 =	smul.u32 $0xF7A, s1;
	s8 =	simm.s32 @!p0 $0x1BF5;
	p2 =	por !p2, p0  }
0x20: {  	[sflag:s8] =	ssyncset.s32 @!p0 $0xFFFFF086;
	s6 =	sadd.s32 @!p0 s3, s7;
	s7 =	simm.s32 @!p0 $0x108  }
0x21: {  	s3 =	sadd.s32 s3, s9;
	s6 =	sadd.s32 @!p0 $0x88, s6;
	s7 =	simm.s32 @p2 $0x1082  }
0x22: {  	[simem:s7], [sflag:s8] =	dma.local @!p0 [hbm:s6], $0xF7A  }
0x23: {  	s9 =	sor.u32 $0xD0000000, s2;
	s6 =	simm.s32 $0x108;
	_ =	swait.ge @!p0 [sflag:s8], $0x0  }
0x24: {  	s3 =	sadd.s32 $0x88, s3;
	s6 =	simm.s32 @!p1 $0x1082;
	[sflag:s4] =	ssyncset.s32 $0xFFFFF086  }
0x25: {  	[simem:s6], [sflag:s4] =	dma.local [hbm:s3], $0xF7A  }
0x26: {  	[smem:$0x3F9A] =	sst s1;
	(tag) =	ssettag s2;
	_ =	strace s9  }
0x27: {  	s1 =	sld [smem:$0x3FAA]  }
0x28: {  	s2 =	sld [smem:$0x3FAB]  }
0x29: {  	s4 =	sld [smem:$0x3FAD]  }
0x2a: {  	p0 =	seq.s32 s5, $0x0;
	s5 =	sld [smem:$0x3FAE]  }
0x2b: {  	s6 =	sld [smem:$0x3FAF]  }
0x2c: {  	s7 =	sld [smem:$0x3FB0]  }
0x2d: {  	s3 =	simm.s32 $0x108;
	s8 =	sld [smem:$0x3FB1]  }
0x2e: {  	s3 =	simm.s32 @!p0 $0x1082;
	s9 =	sld [smem:$0x3FB2]  }
0x2f: {  	lr =	sadd.s32 s0, s3;
	s0 =	sld [smem:$0x3FA9]  }
0x30: {  	s3 =	sld [smem:$0x3FAC]  }
0x31: {  	[smem:$0x3FB5] =	sst s10  }
0x32: {  	s10 =	sld [smem:$0x3FB3];
	_ =	sdelay $0x3  }
0x33: {  	p0 =	seq.s32 s10, $0x1;
	s10 =	sld [smem:$0x3FB5];
	_ =	sdelay $0x3  }
0x34: {  	[smem:$0x3FB5] =	sst s10  }
0x35: {  	s10 =	sld [smem:$0x3FB4];
	_ =	sdelay $0x3  }
0x36: {  	p1 =	seq.s32 s10, $0x1;
	s10 =	sld [smem:$0x3FB5];
	_ =	sdelay $0x3  }
0x37: {  	[smem:$0x3FB5] =	sst s10  }
0x38: {  	s10 =	sld [smem:$0x3FB6]  }
0x39: {  	_ = 	snop;
	(pc) =	sbr.ind lr, $3  }
0x3a: {  	_ = 	snop  }
0x3b: {  	_ = 	snop  }
0x3c: {  	p2 =	seq.s32 s10, $0x1;
	s10 =	sld [smem:$0x3FB5]  }
0x3d: {  	_ =	shalt  }
0x3e: {  	_ =	shalt  }
0x3f: {  	_ =	shalt  }
0x40: {  	_ =	shalt  }
0x41: {  	_ =	shalt  }
0x42: {  	_ =	shalt  }
0x43: {  	_ =	shalt  }
0x44: {  	_ =	shalt  }
0x45: {  	_ =	shalt  }
0x46: {  	_ =	shalt  }
0x47: {  	_ =	shalt  }
0x48: {  	_ =	shalt  }
0x49: {  	_ =	shalt  }
0x4a: {  	_ =	shalt  }
0x4b: {  	_ =	shalt  }
0x4c: {  	_ =	shalt  }
0x4d: {  	_ =	shalt  }
0x4e: {  	_ =	shalt  }
0x4f: {  	_ =	shalt  }
0x50: {  	_ =	shalt  }
0x51: {  	_ =	shalt  }
0x52: {  	_ =	shalt  }
0x53: {  	_ =	shalt  }
0x54: {  	_ =	shalt  }
0x55: {  	_ =	shalt  }
0x56: {  	_ =	shalt  }
0x57: {  	_ =	shalt  }
0x58: {  	_ =	shalt  }
0x59: {  	_ =	shalt  }
0x5a: {  	_ =	shalt  }
0x5b: {  	_ =	shalt  }
0x5c: {  	_ =	shalt  }
0x5d: {  	_ =	shalt  }
0x5e: {  	_ =	shalt  }
0x5f: {  	_ =	shalt  }
0x60: {  	_ =	shalt  }
0x61: {  	_ =	shalt  }
0x62: {  	_ =	shalt  }
0x63: {  	_ =	shalt  }
0x64: {  	_ =	shalt  }
0x65: {  	_ =	shalt  }
0x66: {  	_ =	shalt  }
0x67: {  	_ =	shalt  }
0x68: {  	_ =	shalt  }
0x69: {  	_ =	shalt  }
0x6a: {  	_ =	shalt  }
0x6b: {  	_ =	shalt  }
0x6c: {  	_ =	shalt  }
0x6d: {  	_ =	shalt  }
0x6e: {  	_ =	shalt  }
0x6f: {  	_ =	shalt  }
0x70: {  	_ =	shalt  }
0x71: {  	_ =	shalt  }
0x72: {  	_ =	shalt  }
0x73: {  	_ =	shalt  }
0x74: {  	_ =	shalt  }
0x75: {  	_ =	shalt  }
0x76: {  	_ =	shalt  }
0x77: {  	_ =	shalt  }
0x78: {  	_ =	shalt  }
0x79: {  	_ =	shalt  }
0x7a: {  	_ =	shalt  }
0x7b: {  	_ =	shalt  }
0x7c: {  	_ =	shalt  }
0x7d: {  	_ =	shalt  }
0x7e: {  	_ =	shalt  }
0x7f: {  	_ =	shalt  }
0x80: {  	_ =	shalt  }
0x81: {  	_ =	shalt  }
0x82: {  	_ =	shalt  }
0x83: {  	_ =	shalt  }
0x84: {  	_ =	shalt  }
0x85: {  	_ =	shalt  }
0x86: {  	_ =	shalt  }
0x87: {  	_ =	shalt  }
.Lfunc_end0:
.L_simem_size_0:
called_computation_lowered:
.L_overlay_start_0:
0x88: {  	s2 =	sld [smem:$0x3FD9]  }
0x89: {  	s3 =	sld [smem:$0x3FFE];
	_ =	sdelay $0x1  }
0x8a: {  	s1 =	srdreg.scid  }
0x8b: {  	s0 =	sand.u32 $0x1, s1  }
0x8c: {  	s17 =	sshll.u32 s0, $0xA;
	s2 =	sadd.s32 s3, s2  }
0x8d: {  	s2 =	sadd.s32 s2, s17  }
0x8e: {  	[smem:$0x3FC1] =	sst s2  }
0x8f: {  	_ = 	snop  }
0x90: {  	s2 =	sld [smem:$0x3FD0];
	(tm) =	ssettm $0x1  }
0x91: {  	s18 =	sld [smem:$0x3FFB];
	_ =	sdelay $0x3  }
0x92: {  	_ =	strace s18  }
0x93: {  	s3 =	sld [smem:$0x3FFC];
	_ =	sdelay $0x3  }
0x94: {  	_ =	strace s3  }
0x95: {  	s3 =	sld [smem:$0x3FFD];
	_ =	sdelay $0x3  }
0x96: {  	_ =	strace s3  }
0x97: {  	_ =	strace $0x8FFFFFFF  }
0x98: {  	s19 =	sld [smem:$0x3FDB];
	_ =	sdelay $0x1  }
0x99: {  	s4 =	simm.s32 $_scs_section_size  }
0x9a: {  	s5 =	simm.s32 $_size__tile_overlayer_lowered;
	s6 =	simm.s32 $_tile_overlayer_lowered  }
0x9b: {  	s22 =	simm.s32 $0x1BFF;
	s21 =	sshll.u32 s6, $0x1;
	s3 =	sadd.s32 s4, s19  }
0x9c: {  	s7 =	simm.s32 $0x0;
	s20 =	sshll.u32 s5, $0x1;
	s5 =	sadd.s32 s21, s3  }
0x9d: {  	[timem:s7], [sflag:s22] =	dma.local [hbm:s5], s20  }
0x9e: {  	_ =	swait.ge [sflag:s22], s20  }
0x9f: {  	s4 =	ssub.s32 $0x0, s20;
	[sflag:s22] =	ssyncset.done $0x0  }
0xa0: {  	[sflag:s22] =	ssyncadd.s32 s4;
	_ =	sdelay $0x1  }
0xa1: {  	s23 =	simm.s32 $0x1B8B  }
0xa2: {  	_ =	swait.ge [sflag:s23], $0x1  }
0xa3: {  	[sflag:s23] =	ssyncset.done $0x0  }
0xa4: {  	s25 =	simm.s32 $0x1B8E;
	s24 =	sld [smem:$0x3FFE];
	[sflag:s23] =	ssyncadd.s32 $0xFFFFFFFF  }
0xa5: {  	s26 =	simm.s32 $execute0_lowered;
	[smem:$0x3FD2] =	sst s25  }
0xa6: {  	s5 =	sshll.u32 s26, $0x1;
	_ =	strace $0x80000046;
	[dreg:$0x1] =	wrdreg $0xFFFFFFFF  }
0xa7: {  	s28 =	simm.s32 $_size_execute0_lowered;
	s3 =	sadd.s32 s3, s5;
	[dreg:$0x0] =	wrdreg $0x0  }
0xa8: {  	s5 =	sshll.u32 s28, $0x1;
	[dreg:$0x2] =	wrdreg s3  }
0xa9: {  	[dreg:$0x3] =	wrdreg s5  }
0xaa: {  	[dreg:$0x4] =	wrdreg $0xC0  }
0xab: {  	_ =	task [dreg:s7], $0x5FFFF  }
0xac: {  	[dreg:$0x1] =	wrdreg $0xFFFFFFFF  }
0xad: {  	[dreg:$0x0] =	wrdreg $0x60  }
0xae: {  	[dreg:$0x2] =	wrdreg s2  }
0xaf: {  	[dreg:$0x3] =	wrdreg s24  }
0xb0: {  	[dreg:$0x4] =	wrdreg $0x9  }
0xb1: {  	_ =	task.clear_ibuf [dreg:s7], $0x5FFFF;
	_ =	strace $0x90000046  }
0xb2: {  	s29 =	simm.s32 $0x9;
	_ =	strace $0x80000048  }
0xb3: {  	_ =	swait.ge [sflag:s29], $0x1  }
0xb4: {  	[sflag:s29] =	ssyncadd.s32 $0xFFFFFFFF  }
0xb5: {  	_ =	strace $0x90000048  }
0xb6: {  	_ =	sfence  }
0xb7: {  	s30 =	sld [smem:$0x0];
	_ =	sdelay $0x2  }
0xb8: {  	s31 =	sshll.u32 s1, $0xD;
	s1 =	sshrl.u32 s1, $0x2  }
0xb9: {  	s3 =	sand.u32 $0x4000, s31;
	s1 =	sadd.s32 s1, s30  }
0xba: {  	s0 =	sor.u32 s3, s0;
	s1 =	sshll.u32 s1, $0x11  }
0xbb: {  	s0 =	sor.u32 s1, s0  }
0xbc: {  	s0 =	sadd.s32 $0x8F2B, s0  }
0xbd: {  	[sflag:s0] =	ssyncadd.remote.s32 $0x1  }
0xbe: {  	_ =	sfence.sel $0xFFFF  }
0xbf: {  	[dreg:$0x0] =	wrdreg $0xFFFFFFFF;
	(pc) =	sbr.abs _section_cstart, $3  }
0xc0: {  	[dreg:$0x1] =	wrdreg $0xFFFFFFFF  }
0xc1: {  	_ =	task.clear_ibuf [dreg:s7], $0x2FFFF;
	_ =	strace $0x9FFFFFFF  }
0xc2: {  	(tm) =	ssettm $0x7FFFFFFF  }
0xc3: {  	_ =	shalt  }
tec
execute0_lowered:
.L_overlay_start_1:
0x0: {  	(tag) =	ssettag $0x1  }
0x1: {  	s3 =	rddreg [dreg:$0x0]  }
0x2: {  	s4 =	rddreg [dreg:$0x1]  }
0x3: {  	s0 =	rddreg [dreg:$0x2]  }
0x4: {  	s5 =	srdreg.scid;
	s2 =	simm.s32 $0x0;
	s1 =	stileid.u32  }
0x5: {  	s12 =	simm.s32 $0x400;
	s13 =	simm.s32 $0x800;
	s14 =	simm.s32 $0xC00  }
0x6: {  	s15 =	simm.s32 $0x1;
	s16 =	simm.s32 $0x1000;
	s17 =	simm.s32 $0x9000  }
0x7: {  	s18 =	simm.s32 $0x2;
	s19 =	simm.s32 $0x3;
	s5 =	sand.u32 $0x1, s5  }
0x8: {  	s20 =	simm.s32 $0x0;
	s6 =	sshll.u32 s1, $0xB;
	s7 =	sshll.u32 s5, $0xA  }
0x9: {  	[smem:$0x7FF] =	sst s2;
	s5 =	ssub.s32 $0x2, s5;
	s6 =	sor.u32 s7, s6  }
0xa: {  	s31 =	sshrl.u32 s5, $0x1;
	s7 =	sshll.u32 s6, $0x4;
	s6 =	sshrl.u32 s6, $0x3  }
0xb: {  	_ =	strace $0x80000047;
	s11 =	ssub.s32 s5, s31;
	s3 =	sadd.s32 s3, s6  }
0xc: {  	s10 =	sadd.s32 s7, s4;
	s11 =	smax.u32 s11, $0x1;
	s4 =	sadd.s32 $0x1000, s3  }
0xd: {  	v1 =	vlaneseq.u32;
	s5 =	sadd.s32 $0x2000, s3;
	s6 =	sadd.s32 $0x3000, s3;
	s7 =	sadd.s32 $0x1200, s10  }
0xe: {  	v0 =	vimm.f32 $0.0e+00;
	v2 =	vimm.f32 $1.000000000e+00;
	v1 =	vmul.u32 $0x80, v1;
	s8 =	sadd.s32 $0x2200, s10;
	s9 =	sadd.s32 $0x3200, s10;
	s10 =	sadd.s32 $0x4200, s10  }
.LBB2_1:
0xf: {  	[tilespmem:s2], [sflag:$0x1] =	stream.linear.gather [hbm4b:s3+s2], $0x400, $0x38;
	[tilespmem:$0x11000] =	vst v63  }
0x10: {  	_ = 	snop  }
0x11: {  	[tilespmem:s12], [sflag:$0x1] =	stream.linear.gather [hbm4b:s4+s2], $0x400, $0x38;
	[tilespmem:$0x11000] =	vst v63  }
0x12: {  	_ = 	snop  }
0x13: {  	[tilespmem:s13], [sflag:$0x1] =	stream.linear.gather [hbm4b:s5+s2], $0x400, $0x38;
	[tilespmem:$0x11000] =	vst v63  }
0x14: {  	s21 =	simm.s32 $0x0;
	s22 =	simm.s32 $0x200  }
0x15: {  	[tilespmem:s14], [sflag:$0x1] =	stream.linear.gather [hbm4b:s6+s2], $0x400, $0x38;
	[tilespmem:$0x11000] =	vst v63  }
.LBB2_2:
0x16: {  	p0 =	sne.s32 s22, $0x3FE00;
	[tilespmem:s21+$0x1070] =	vst v0  }
0x17: {  	[tilespmem:s21+$0x1000] =	vst v0  }
0x18: {  	[tilespmem:s21+$0x1010] =	vst v0  }
.Ltmp0:
0x19: {  	[tilespmem:s21+$0x1020] =	vst v0;
	(pc) =	sbr.rel @p0 .LBB2_2-.Ltmp0, $4  }
0x1a: {  	[tilespmem:s21+$0x1030] =	vst v0  }
0x1b: {  	[tilespmem:s21+$0x1040] =	vst v0  }
0x1c: {  	[tilespmem:s21+$0x1050] =	vst v0  }
0x1d: {  	[tilespmem:s21+$0x1060] =	vst v0;
	s21 =	sshra.s32 s22, $0x2;
	s22 =	sadd.s32 $0x200, s22  }
0x1e: {  	[tilespmem:s21+$0x1070] =	vst v0  }
0x1f: {  	[tilespmem:s21+$0x1000] =	vst v0  }
0x20: {  	[tilespmem:s21+$0x1010] =	vst v0  }
0x21: {  	[tilespmem:s21+$0x1020] =	vst v0  }
0x22: {  	[tilespmem:s21+$0x1030] =	vst v0  }
0x23: {  	[tilespmem:s21+$0x1040] =	vst v0  }
0x24: {  	[tilespmem:s21+$0x1050] =	vst v0  }
0x25: {  	[tilespmem:s21+$0x1060] =	vst v0  }
0x26: {  	_ =	swait.ge [sflag:s15], $0x400  }
0x27: {  	[sflag:s15] =	ssyncset.done $0x0  }
0x28: {  	[sflag:s15] =	ssyncadd.s32 $0xFFFFFC00  }
0x29: {  	_ =	swait.ge [sflag:s15], $0x400  }
0x2a: {  	[sflag:s15] =	ssyncset.done $0x0  }
0x2b: {  	[sflag:s15] =	ssyncadd.s32 $0xFFFFFC00  }
0x2c: {  	_ =	swait.ge [sflag:s15], $0x400  }
0x2d: {  	[sflag:s15] =	ssyncset.done $0x0  }
0x2e: {  	[sflag:s15] =	ssyncadd.s32 $0xFFFFFC00  }
0x2f: {  	_ =	swait.ge [sflag:s15], $0x400  }
0x30: {  	[sflag:s15] =	ssyncset.done $0x0  }
0x31: {  	s21 =	simm.s32 $0x0;
	s22 =	simm.s32 $0x0;
	[sflag:s15] =	ssyncadd.s32 $0xFFFFFC00  }
.LBB2_4:
0x32: {  	v3 =	vld [tilespmem:s21+$0x0];
	_ =	sdelay $0x4  }
0x33: {  	v4 =	vmov s22;
	vm0 =	vgt.s32 v3, $0x0  }
0x34: {  	v4 =	vshll.u32 v4, $0x7;
	v3 =	vnsel vm0, $0x0, v3  }
0x35: {  	v4 =	vor.u32 v1, v4;
	v3 =	vmin.u32 v3, $0xC  }
0x36: {  	v3 =	vor.u32 v4, v3;
	_ =	sdelay $0x4  }
0x37: {  	s23 =	sand.u32 $0xF0, s22;
	[tilespmem:v3+s16+$0x0] =	vst.idx.msk $0xffff, v2  }
0x38: {  	v3 =	vld [tilespmem:s23+$0x400];
	_ =	sdelay $0x4  }
0x39: {  	vm13 =	vgt.s32 v3, $0x0  }
0x3a: {  	v3 =	vnsel vm13, $0x0, v3  }
0x3b: {  	v3 =	vmin.u32 v3, $0x6  }
0x3c: {  	v3 =	vor.u32 v3, v4  }
0x3d: {  	v3 =	vor.u32 $0x10, v3;
	_ =	sdelay $0x4  }
0x3e: {  	[tilespmem:v3+s16+$0x0] =	vst.idx.msk $0xffff, v2  }
0x3f: {  	v3 =	vld [tilespmem:s23+$0x800];
	_ =	sdelay $0x4  }
0x40: {  	vm14 =	vgt.s32 v3, $0x0  }
0x41: {  	v3 =	vnsel vm14, $0x0, v3  }
0x42: {  	v3 =	vmin.u32 v3, $0x17  }
0x43: {  	v3 =	vor.u32 v4, v3  }
0x44: {  	v3 =	vadd.s32 $0x18, v3;
	_ =	sdelay $0x4  }
0x45: {  	[tilespmem:v3+s16+$0x0] =	vst.idx.msk $0xffff, v2  }
0x46: {  	v3 =	vld [tilespmem:s23+$0xC00];
	_ =	sdelay $0x4  }
0x47: {  	vm15 =	vgt.s32 v3, $0x0  }
0x48: {  	v3 =	vnsel vm15, $0x0, v3  }
0x49: {  	v3 =	vmin.u32 v3, $0x1F  }
0x4a: {  	v3 =	vor.u32 v4, v3  }
0x4b: {  	p0 =	sne.s32 s22, $0xF0;
	v3 =	vadd.s32 $0x30, v3  }
.Ltmp1:
0x4c: {  	_ = 	snop;
	(pc) =	sbr.rel @p0 .LBB2_4-.Ltmp1, $2  }
0x4d: {  	_ =	sdelay $0x2  }
0x4e: {  	s21 =	sadd.s32 $0x10, s21;
	s22 =	sadd.s32 $0x10, s22;
	[tilespmem:v3+s16+$0x0] =	vst.idx.msk $0xffff, v2  }
0x4f: {  	s21 =	simm.s32 $0x0  }
0x50: {  	[hbm4b:s7+s21] =	stream.linear.scatter [tilespmem:s16], [sflag:$0x2], $0x8000, $0x38;
	[tilespmem:$0x11000] =	vst v63  }
.LBB2_6:
0x51: {  	s22 =	sand.u32 $0xF0, s21  }
0x52: {  	v3 =	vld [tilespmem:s22+$0x100];
	_ =	sdelay $0x4  }
0x53: {  	v4 =	vmov s21;
	vm0 =	vgt.s32 v3, $0x0  }
0x54: {  	v4 =	vshll.u32 v4, $0x7;
	v3 =	vnsel vm0, $0x0, v3  }
0x55: {  	v4 =	vor.u32 v1, v4;
	v3 =	vmin.u32 v3, $0xC  }
0x56: {  	v3 =	vor.u32 v4, v3;
	_ =	sdelay $0x4  }
0x57: {  	[tilespmem:v3+s17+$0x0] =	vst.idx.msk $0xffff, v2  }
0x58: {  	v3 =	vld [tilespmem:s22+$0x500];
	_ =	sdelay $0x4  }
0x59: {  	vm13 =	vgt.s32 v3, $0x0  }
0x5a: {  	v3 =	vnsel vm13, $0x0, v3  }
0x5b: {  	v3 =	vmin.u32 v3, $0x6  }
0x5c: {  	v3 =	vor.u32 v3, v4  }
0x5d: {  	v3 =	vor.u32 $0x10, v3;
	_ =	sdelay $0x4  }
0x5e: {  	[tilespmem:v3+s17+$0x0] =	vst.idx.msk $0xffff, v2  }
0x5f: {  	v3 =	vld [tilespmem:s22+$0x900];
	_ =	sdelay $0x4  }
0x60: {  	vm14 =	vgt.s32 v3, $0x0  }
0x61: {  	v3 =	vnsel vm14, $0x0, v3  }
0x62: {  	v3 =	vmin.u32 v3, $0x17  }
0x63: {  	v3 =	vor.u32 v4, v3  }
0x64: {  	v3 =	vadd.s32 $0x18, v3;
	_ =	sdelay $0x4  }
0x65: {  	[tilespmem:v3+s17+$0x0] =	vst.idx.msk $0xffff, v2  }
0x66: {  	v3 =	vld [tilespmem:s22+$0xD00];
	_ =	sdelay $0x4  }
0x67: {  	vm15 =	vgt.s32 v3, $0x0  }
0x68: {  	v3 =	vnsel vm15, $0x0, v3  }
0x69: {  	v3 =	vmin.u32 v3, $0x1F  }
0x6a: {  	v3 =	vor.u32 v4, v3  }
0x6b: {  	p0 =	sne.s32 s21, $0xF0;
	v3 =	vadd.s32 $0x30, v3  }
.Ltmp2:
0x6c: {  	_ = 	snop;
	(pc) =	sbr.rel @p0 .LBB2_6-.Ltmp2, $2  }
0x6d: {  	_ =	sdelay $0x2  }
0x6e: {  	s21 =	sadd.s32 $0x10, s21;
	[tilespmem:v3+s17+$0x0] =	vst.idx.msk $0xffff, v2  }
0x6f: {  	s21 =	simm.s32 $0x0  }
0x70: {  	[hbm4b:s8+s21] =	stream.linear.scatter [tilespmem:s17], [sflag:$0x3], $0x8000, $0x38;
	[tilespmem:$0x11000] =	vst v63  }
0x71: {  	_ =	swait.ge [sflag:s18], $0x8000  }
0x72: {  	[sflag:s18] =	ssyncset.done $0x0  }
0x73: {  	s22 =	simm.s32 $0x0;
	s23 =	simm.s32 $0x0;
	[sflag:s18] =	ssyncadd.s32 $0xFFFF8000  }
.LBB2_8:
0x74: {  	v3 =	vld [tilespmem:s22+$0x0];
	_ =	sdelay $0x4  }
0x75: {  	v4 =	vmov s23;
	vm0 =	vgt.s32 v3, $0x0  }
0x76: {  	v4 =	vshll.u32 v4, $0x7;
	v3 =	vnsel vm0, $0x0, v3  }
0x77: {  	v4 =	vor.u32 v1, v4;
	v3 =	vmin.u32 v3, $0xC  }
0x78: {  	v3 =	vor.u32 v4, v3;
	_ =	sdelay $0x4  }
0x79: {  	s24 =	sand.u32 $0xF0, s23;
	[tilespmem:v3+s16+$0x0] =	vst.idx.msk $0xffff, v0  }
0x7a: {  	v3 =	vld [tilespmem:s24+$0x400];
	_ =	sdelay $0x4  }
0x7b: {  	vm13 =	vgt.s32 v3, $0x0  }
0x7c: {  	v3 =	vnsel vm13, $0x0, v3  }
0x7d: {  	v3 =	vmin.u32 v3, $0x6  }
0x7e: {  	v3 =	vor.u32 v3, v4  }
0x7f: {  	v3 =	vor.u32 $0x10, v3;
	_ =	sdelay $0x4  }
0x80: {  	[tilespmem:v3+s16+$0x0] =	vst.idx.msk $0xffff, v0  }
0x81: {  	v3 =	vld [tilespmem:s24+$0x800];
	_ =	sdelay $0x4  }
0x82: {  	vm14 =	vgt.s32 v3, $0x0  }
0x83: {  	v3 =	vnsel vm14, $0x0, v3  }
0x84: {  	v3 =	vmin.u32 v3, $0x17  }
0x85: {  	v3 =	vor.u32 v4, v3  }
0x86: {  	v3 =	vadd.s32 $0x18, v3;
	_ =	sdelay $0x4  }
0x87: {  	[tilespmem:v3+s16+$0x0] =	vst.idx.msk $0xffff, v0  }
0x88: {  	v3 =	vld [tilespmem:s24+$0xC00];
	_ =	sdelay $0x4  }
0x89: {  	vm15 =	vgt.s32 v3, $0x0  }
0x8a: {  	v3 =	vnsel vm15, $0x0, v3  }
0x8b: {  	v3 =	vmin.u32 v3, $0x1F  }
0x8c: {  	v3 =	vor.u32 v4, v3  }
0x8d: {  	p0 =	sne.s32 s23, $0xF0;
	v3 =	vadd.s32 $0x30, v3  }
.Ltmp3:
0x8e: {  	_ = 	snop;
	(pc) =	sbr.rel @p0 .LBB2_8-.Ltmp3, $2  }
0x8f: {  	_ =	sdelay $0x2  }
0x90: {  	s22 =	sadd.s32 $0x10, s22;
	s23 =	sadd.s32 $0x10, s23;
	[tilespmem:v3+s16+$0x0] =	vst.idx.msk $0xffff, v0  }
.LBB2_9:
0x91: {  	s22 =	sand.u32 $0xF0, s21  }
0x92: {  	v3 =	vld [tilespmem:s22+$0x200];
	_ =	sdelay $0x4  }
0x93: {  	v4 =	vmov s21;
	vm0 =	vgt.s32 v3, $0x0  }
0x94: {  	v4 =	vshll.u32 v4, $0x7;
	v3 =	vnsel vm0, $0x0, v3  }
0x95: {  	v4 =	vor.u32 v1, v4;
	v3 =	vmin.u32 v3, $0xC  }
0x96: {  	v3 =	vor.u32 v4, v3;
	_ =	sdelay $0x4  }
0x97: {  	[tilespmem:v3+s16+$0x0] =	vst.idx.msk $0xffff, v2  }
0x98: {  	v3 =	vld [tilespmem:s22+$0x600];
	_ =	sdelay $0x4  }
0x99: {  	vm13 =	vgt.s32 v3, $0x0  }
0x9a: {  	v3 =	vnsel vm13, $0x0, v3  }
0x9b: {  	v3 =	vmin.u32 v3, $0x6  }
0x9c: {  	v3 =	vor.u32 v3, v4  }
0x9d: {  	v3 =	vor.u32 $0x10, v3;
	_ =	sdelay $0x4  }
0x9e: {  	[tilespmem:v3+s16+$0x0] =	vst.idx.msk $0xffff, v2  }
0x9f: {  	v3 =	vld [tilespmem:s22+$0xA00];
	_ =	sdelay $0x4  }
0xa0: {  	vm14 =	vgt.s32 v3, $0x0  }
0xa1: {  	v3 =	vnsel vm14, $0x0, v3  }
0xa2: {  	v3 =	vmin.u32 v3, $0x17  }
0xa3: {  	v3 =	vor.u32 v4, v3  }
0xa4: {  	v3 =	vadd.s32 $0x18, v3;
	_ =	sdelay $0x4  }
0xa5: {  	[tilespmem:v3+s16+$0x0] =	vst.idx.msk $0xffff, v2  }
0xa6: {  	v3 =	vld [tilespmem:s22+$0xE00];
	_ =	sdelay $0x4  }
0xa7: {  	vm15 =	vgt.s32 v3, $0x0  }
0xa8: {  	v3 =	vnsel vm15, $0x0, v3  }
0xa9: {  	v3 =	vmin.u32 v3, $0x1F  }
0xaa: {  	v3 =	vor.u32 v4, v3  }
0xab: {  	p0 =	sne.s32 s21, $0xF0;
	v3 =	vadd.s32 $0x30, v3  }
.Ltmp4:
0xac: {  	_ = 	snop;
	(pc) =	sbr.rel @p0 .LBB2_9-.Ltmp4, $2  }
0xad: {  	_ =	sdelay $0x2  }
0xae: {  	s21 =	sadd.s32 $0x10, s21;
	[tilespmem:v3+s16+$0x0] =	vst.idx.msk $0xffff, v2  }
0xaf: {  	s21 =	simm.s32 $0x0  }
0xb0: {  	[hbm4b:s9+s21] =	stream.linear.scatter [tilespmem:s16], [sflag:$0x2], $0x8000, $0x38;
	[tilespmem:$0x11000] =	vst v63  }
0xb1: {  	_ =	swait.ge [sflag:s19], $0x8000  }
0xb2: {  	[sflag:s19] =	ssyncset.done $0x0  }
0xb3: {  	s22 =	simm.s32 $0x0;
	[sflag:s19] =	ssyncadd.s32 $0xFFFF8000  }
.LBB2_11:
0xb4: {  	s23 =	sand.u32 $0xF0, s22  }
0xb5: {  	v3 =	vld [tilespmem:s23+$0x100];
	_ =	sdelay $0x4  }
0xb6: {  	v4 =	vmov s22;
	vm0 =	vgt.s32 v3, $0x0  }
0xb7: {  	v4 =	vshll.u32 v4, $0x7;
	v3 =	vnsel vm0, $0x0, v3  }
0xb8: {  	v4 =	vor.u32 v1, v4;
	v3 =	vmin.u32 v3, $0xC  }
0xb9: {  	v3 =	vor.u32 v4, v3;
	_ =	sdelay $0x4  }
0xba: {  	[tilespmem:v3+s17+$0x0] =	vst.idx.msk $0xffff, v0  }
0xbb: {  	v3 =	vld [tilespmem:s23+$0x500];
	_ =	sdelay $0x4  }
0xbc: {  	vm13 =	vgt.s32 v3, $0x0  }
0xbd: {  	v3 =	vnsel vm13, $0x0, v3  }
0xbe: {  	v3 =	vmin.u32 v3, $0x6  }
0xbf: {  	v3 =	vor.u32 v3, v4  }
0xc0: {  	v3 =	vor.u32 $0x10, v3;
	_ =	sdelay $0x4  }
0xc1: {  	[tilespmem:v3+s17+$0x0] =	vst.idx.msk $0xffff, v0  }
0xc2: {  	v3 =	vld [tilespmem:s23+$0x900];
	_ =	sdelay $0x4  }
0xc3: {  	vm14 =	vgt.s32 v3, $0x0  }
0xc4: {  	v3 =	vnsel vm14, $0x0, v3  }
0xc5: {  	v3 =	vmin.u32 v3, $0x17  }
0xc6: {  	v3 =	vor.u32 v4, v3  }
0xc7: {  	v3 =	vadd.s32 $0x18, v3;
	_ =	sdelay $0x4  }
0xc8: {  	[tilespmem:v3+s17+$0x0] =	vst.idx.msk $0xffff, v0  }
0xc9: {  	v3 =	vld [tilespmem:s23+$0xD00];
	_ =	sdelay $0x4  }
0xca: {  	vm15 =	vgt.s32 v3, $0x0  }
0xcb: {  	v3 =	vnsel vm15, $0x0, v3  }
0xcc: {  	v3 =	vmin.u32 v3, $0x1F  }
0xcd: {  	v3 =	vor.u32 v4, v3  }
0xce: {  	p0 =	sne.s32 s22, $0xF0;
	v3 =	vadd.s32 $0x30, v3  }
.Ltmp5:
0xcf: {  	_ = 	snop;
	(pc) =	sbr.rel @p0 .LBB2_11-.Ltmp5, $2  }
0xd0: {  	_ =	sdelay $0x2  }
0xd1: {  	s22 =	sadd.s32 $0x10, s22;
	[tilespmem:v3+s17+$0x0] =	vst.idx.msk $0xffff, v0  }
.LBB2_12:
0xd2: {  	s22 =	sand.u32 $0xF0, s21  }
0xd3: {  	v3 =	vld [tilespmem:s22+$0x300];
	_ =	sdelay $0x4  }
0xd4: {  	v4 =	vmov s21;
	vm0 =	vgt.s32 v3, $0x0  }
0xd5: {  	v4 =	vshll.u32 v4, $0x7;
	v3 =	vnsel vm0, $0x0, v3  }
0xd6: {  	v4 =	vor.u32 v1, v4;
	v3 =	vmin.u32 v3, $0xC  }
0xd7: {  	v3 =	vor.u32 v4, v3;
	_ =	sdelay $0x4  }
0xd8: {  	[tilespmem:v3+s17+$0x0] =	vst.idx.msk $0xffff, v2  }
0xd9: {  	v3 =	vld [tilespmem:s22+$0x700];
	_ =	sdelay $0x4  }
0xda: {  	vm13 =	vgt.s32 v3, $0x0  }
0xdb: {  	v3 =	vnsel vm13, $0x0, v3  }
0xdc: {  	v3 =	vmin.u32 v3, $0x6  }
0xdd: {  	v3 =	vor.u32 v3, v4  }
0xde: {  	v3 =	vor.u32 $0x10, v3;
	_ =	sdelay $0x4  }
0xdf: {  	[tilespmem:v3+s17+$0x0] =	vst.idx.msk $0xffff, v2  }
0xe0: {  	v3 =	vld [tilespmem:s22+$0xB00];
	_ =	sdelay $0x4  }
0xe1: {  	vm14 =	vgt.s32 v3, $0x0  }
0xe2: {  	v3 =	vnsel vm14, $0x0, v3  }
0xe3: {  	v3 =	vmin.u32 v3, $0x17  }
0xe4: {  	v3 =	vor.u32 v4, v3  }
0xe5: {  	v3 =	vadd.s32 $0x18, v3;
	_ =	sdelay $0x4  }
0xe6: {  	[tilespmem:v3+s17+$0x0] =	vst.idx.msk $0xffff, v2  }
0xe7: {  	v3 =	vld [tilespmem:s22+$0xF00];
	_ =	sdelay $0x4  }
0xe8: {  	vm15 =	vgt.s32 v3, $0x0  }
0xe9: {  	v3 =	vnsel vm15, $0x0, v3  }
0xea: {  	v3 =	vmin.u32 v3, $0x1F  }
0xeb: {  	v3 =	vor.u32 v4, v3  }
0xec: {  	p0 =	sne.s32 s21, $0xF0;
	v3 =	vadd.s32 $0x30, v3  }
.Ltmp6:
0xed: {  	_ = 	snop;
	(pc) =	sbr.rel @p0 .LBB2_12-.Ltmp6, $2  }
0xee: {  	_ =	sdelay $0x2  }
0xef: {  	s21 =	sadd.s32 $0x10, s21;
	[tilespmem:v3+s17+$0x0] =	vst.idx.msk $0xffff, v2  }
0xf0: {  	[hbm4b:s10+s2] =	stream.linear.scatter [tilespmem:s17], [sflag:$0x3], $0x8000, $0x38;
	[tilespmem:$0x11000] =	vst v63  }
0xf1: {  	s20 =	sadd.s32 $0x1, s20  }
0xf2: {  	_ =	swait.ge [sflag:s18], $0x8000;
	p0 =	sne.s32 s20, s11  }
.Ltmp7:
0xf3: {  	[sflag:s18] =	ssyncset.done $0x0;
	(pc) =	sbr.rel @p0 .LBB2_1-.Ltmp7, $4  }
0xf4: {  	[sflag:s18] =	ssyncadd.s32 $0xFFFF8000  }
0xf5: {  	_ =	swait.ge [sflag:s19], $0x8000  }
0xf6: {  	[sflag:s19] =	ssyncset.done $0x0  }
0xf7: {  	[sflag:s19] =	ssyncadd.s32 $0xFFFF8000  }
0xf8: {  	_ =	sfence.sel $0x180000  }
0xf9: {  	[bflag:$0x0] =	sbarrier.arrive $0xFFFF  }
0xfa: {  	p0 =	sne.s32 s1, $0x0;
	_ =	strace $0x90000047  }
0xfb: {  	s0 =	sadd.s32 @!p0 $0x100000, s0;
	[bflag:$0x2] =	sbarrier.arrive $0xFFFF  }
0xfc: {  	[sflag:s0] =	ssyncadd.tile.s32 @!p0 $0x1;
	_ =	shalt  }
.Lfunc_end2:
_tile_overlayer_lowered:
.L_overlay_start_2:
0xfd: {  	(tag) =	ssettag $0x2  }
0xfe: {  	s0 =	rddreg [dreg:$0x0];
	s2 =	stileid.u32  }
0xff: {  	s1 =	rddreg [dreg:$0x1];
	p0 =	sne.s32 s2, $0x0  }
0x100: {  	s3 =	rddreg [dreg:$0x2];
	[bflag:$0x3] =	sbarrier.arrive $0xFFFF;
	s2 =	simm.s32 @!p0 $0x1C04  }
0x101: {  	[timem:s3], [sflag:s2] =	dma.local @!p0 [hbm:s0], s1  }
0x102: {  	s0 =	simm.s32 @!p0 $0x4  }
0x103: {  	_ =	swait.ge @!p0 [sflag:s0], s1  }
0x104: {  	s1 =	ssub.s32 @!p0 $0x0, s1;
	[sflag:s0] =	ssyncset.done @!p0 $0x0  }
0x105: {  	[sflag:s0] =	ssyncadd.s32 @!p0 s1  }
0x106: {  	[bflag:$0x3] =	sbarrier.arrive $0xFFFF  }
0x107: {  	_ =	shalt  }

</sc_bundles>
